<compile_context>
chip_gen: v7x
topology: tpu7x:2x2x1
jax: 0.10.2.dev20260603
libtpu: 0.0.44.dev20260713+nightly
codegen_flags: <defaults>
</compile_context>

<pallas_src>
import functools

import jax
import jax.numpy as jnp
from jax import lax
from jax.experimental import pallas as pl
from jax.experimental.pallas import tpu as pltpu
from jax.experimental.pallas import tpu_sc as plsc

N = 2097152
NV = 64
NW = 32
PER_W = N // NW
W = 512
NWIN = PER_W // W
L = 16

_mesh = plsc.VectorSubcoreMesh(core_axis_name="c", subcore_axis_name="s")

_cp = pltpu.CompilerParams(
    needs_layout_passes=False, use_tc_tiling_on_sc=True
)


@functools.partial(
    pl.kernel,
    mesh=_mesh,
    compiler_params=_cp,
    out_type=jax.ShapeDtypeStruct((NV, N), jnp.float32),
    scratch_types=[
        pltpu.VMEM((W,), jnp.int32),
        pltpu.VMEM((W,), jnp.int32),
        pltpu.VMEM((W,), jnp.int32),
        pltpu.VMEM((W,), jnp.int32),
        pltpu.VMEM((NV, W), jnp.float32),
        pltpu.VMEM((NV, W), jnp.float32),
        pltpu.SemaphoreType.DMA,
        pltpu.SemaphoreType.DMA,
    ],
)
def _sc_onehot_t(
    x_hbm, out_hbm, idx0, idx1, col0, col1, blk0, blk1, in_sem, out_sem
):
    idx_v = (idx0, idx1)
    col_v = (col0, col1)
    blk_v = (blk0, blk1)
    wid = lax.axis_index("c") * 16 + lax.axis_index("s")
    base = wid * PER_W

    iota = lax.iota(jnp.int32, L)
    ones = jnp.full((L,), 1.0, jnp.float32)
    zeros = jnp.zeros((L,), jnp.float32)

    for b in range(2):
        blk = blk_v[b]

        @pl.loop(0, NV)
        def _(r):
            for c in range(0, W, L):
                blk[r, pl.ds(c, L)] = zeros

    for b in range(2):
        pltpu.make_async_copy(
            x_hbm.at[pl.ds(base + b * W, W)], idx_v[b], in_sem
        ).start()

    @pl.loop(0, NWIN, step=2)
    def _(tt):
        for b in range(2):
            t = tt + b
            blk = blk_v[b]
            idx = idx_v[b]
            col = col_v[b]

            @pl.when(t >= 2)
            def _():
                pltpu.make_async_copy(
                    blk, out_hbm.at[:, pl.ds(0, W)], out_sem
                ).wait()

                @pl.loop(0, W, step=L)
                def _(k):
                    old = col[pl.ds(k, L)]
                    plsc.store_scatter(blk, [old, k + iota], zeros)

            pltpu.make_async_copy(
                x_hbm.at[pl.ds(base, W)], idx, in_sem
            ).wait()

            @pl.loop(0, W, step=L)
            def _(k):
                vvec = idx[pl.ds(k, L)]
                plsc.store_scatter(blk, [vvec, k + iota], ones)
                col[pl.ds(k, L)] = vvec

            pltpu.make_async_copy(
                blk, out_hbm.at[:, pl.ds(base + t * W, W)], out_sem
            ).start()

            @pl.when(t + 2 < NWIN)
            def _():
                pltpu.make_async_copy(
                    x_hbm.at[pl.ds(base + (t + 2) * W, W)],
                    idx_v[b],
                    in_sem,
                ).start()

    for b in range(2):
        pltpu.make_async_copy(
            blk_v[b], out_hbm.at[:, pl.ds(0, W)], out_sem
        ).wait()


def kernel(x):
    return _sc_onehot_t(x.astype(jnp.int32)).T

# --- scband reference (transcript-rebuilt; emitter-appended) ---
"""Pipeline reference for scband-one-hot-binning-28406913696480 (READ-ONLY COPY).

The authoritative reference and input builder live on the scoring server;
editing this copy changes nothing except your own understanding.
"""

import jax, jax.numpy as jnp
import numpy as np

N_VALUES = 64
N = 2097152

def setup_inputs(seed: int = 0) -> dict:
    key = jax.random.key(seed)
    x = jax.random.randint(key, (N,), 0, N_VALUES, dtype=jnp.int64)
    return {"x": x}

def reference(x) -> jnp.ndarray:
    # Faithful translation of torch.nn.functional.one_hot(x.long(), num_classes=n_values).float()
    x = x.astype(jnp.int64)
    out = jax.nn.one_hot(x, N_VALUES, dtype=jnp.float32)
    return out

if __name__ == "__main__":
    import jax
    _d = setup_inputs()
    print(jax.jit(kernel)(*tuple(_d.values())))

</pallas_src>

<mosaic_0001>
#map = affine_map<(d0, d1) -> (0)>
#map1 = affine_map<(d0, d1) -> (0, 0)>
module attributes {stable_mosaic.version = 14 : i64} {
  func.func @_sc_onehot_t(%arg0: i32, %arg1: i32, %arg2: memref<2097152xi32, #tpu.memory_space<hbm>>, %arg3: memref<64x2097152xf32, #tpu.memory_space<hbm>>, %arg4: memref<512xi32, #tpu.memory_space<vmem>>, %arg5: memref<512xi32, #tpu.memory_space<vmem>>, %arg6: memref<512xi32, #tpu.memory_space<vmem>>, %arg7: memref<512xi32, #tpu.memory_space<vmem>>, %arg8: memref<64x512xf32, #tpu.memory_space<vmem>>, %arg9: memref<64x512xf32, #tpu.memory_space<vmem>>, %arg10: memref<!tpu.dma_semaphore, #tpu.memory_space<semaphore_mem>>, %arg11: memref<!tpu.dma_semaphore, #tpu.memory_space<semaphore_mem>>) attributes {dimension_semantics = [#tpu.dimension_semantics<core_parallel>, #tpu.dimension_semantics<subcore_parallel>], iteration_bounds = array<i64: 2, 16>, scalar_prefetch = 0 : i64, scratch_operands = 8 : i64, tpu.core_type = #tpu.core_type<sc_vector_subcore>, window_params = [{transform_indices = #map}, {transform_indices = #map1}]} {
    %mul3A = arith.constant 16 : i32
    %mul3A_0 = arith.muli %arg0, %mul3A : i32
    %add3A = arith.addi %mul3A_0, %arg1 : i32
    %mul3A_1 = arith.constant 65536 : i32
    %mul3A_2 = arith.muli %add3A, %mul3A_1 : i32
    %iota3A = tpu.iota {dimensions = array<i32: 0>} : vector<16xi32>
    %broadcast_in_dim3A = arith.constant 1.000000e+00 : f32
    %broadcast_in_dim3A_3 = vector.broadcast %broadcast_in_dim3A : f32 to vector<16xf32>
    %broadcast_in_dim3A_4 = arith.constant 0.000000e+00 : f32
    %broadcast_in_dim3A_5 = vector.broadcast %broadcast_in_dim3A_4 : f32 to vector<16xf32>
    %scan3A = arith.constant 0 : i32
    %scan3A_6 = arith.constant 64 : i32
    %scan3A_7 = arith.addi %scan3A, %scan3A_6 : i32
    %scan3A_8 = arith.constant 1 : i32
    scf.for %scan3A_38 = %scan3A to %scan3A_7 step %scan3A_8  : i32 {
      %mul3A_39 = arith.constant 1 : i32
      %mul3A_40 = arith.muli %scan3A_38, %mul3A_39 : i32
      %add3A_41 = arith.constant 0 : i32
      %add3A_42 = arith.addi %add3A_41, %mul3A_40 : i32
      %swap3A = arith.index_cast %add3A_42 : i32 to index
      %swap3A_43 = arith.constant 0 : index
      %swap3A_44 = tpu.vector_load %arg8[%swap3A, %swap3A_43] {strides = array<i32>} : memref<64x512xf32, #tpu.memory_space<vmem>>, vector<16xf32>,
      tpu.vector_store %arg8[%swap3A, %swap3A_43], %broadcast_in_dim3A_5 {strides = array<i32>} : memref<64x512xf32, #tpu.memory_space<vmem>>, vector<16xf32>,
      %swap3A_45 = arith.index_cast %add3A_42 : i32 to index
      %swap3A_46 = arith.constant 16 : index
      %swap3A_47 = tpu.vector_load %arg8[%swap3A_45, %swap3A_46] {strides = array<i32>} : memref<64x512xf32, #tpu.memory_space<vmem>>, vector<16xf32>,
      tpu.vector_store %arg8[%swap3A_45, %swap3A_46], %broadcast_in_dim3A_5 {strides = array<i32>} : memref<64x512xf32, #tpu.memory_space<vmem>>, vector<16xf32>,
      %swap3A_48 = arith.index_cast %add3A_42 : i32 to index
      %swap3A_49 = arith.constant 32 : index
      %swap3A_50 = tpu.vector_load %arg8[%swap3A_48, %swap3A_49] {strides = array<i32>} : memref<64x512xf32, #tpu.memory_space<vmem>>, vector<16xf32>,
      tpu.vector_store %arg8[%swap3A_48, %swap3A_49], %broadcast_in_dim3A_5 {strides = array<i32>} : memref<64x512xf32, #tpu.memory_space<vmem>>, vector<16xf32>,
      %swap3A_51 = arith.index_cast %add3A_42 : i32 to index
      %swap3A_52 = arith.constant 48 : index
      %swap3A_53 = tpu.vector_load %arg8[%swap3A_51, %swap3A_52] {strides = array<i32>} : memref<64x512xf32, #tpu.memory_space<vmem>>, vector<16xf32>,
      tpu.vector_store %arg8[%swap3A_51, %swap3A_52], %broadcast_in_dim3A_5 {strides = array<i32>} : memref<64x512xf32, #tpu.memory_space<vmem>>, vector<16xf32>,
      %swap3A_54 = arith.index_cast %add3A_42 : i32 to index
      %swap3A_55 = arith.constant 64 : index
      %swap3A_56 = tpu.vector_load %arg8[%swap3A_54, %swap3A_55] {strides = array<i32>} : memref<64x512xf32, #tpu.memory_space<vmem>>, vector<16xf32>,
      tpu.vector_store %arg8[%swap3A_54, %swap3A_55], %broadcast_in_dim3A_5 {strides = array<i32>} : memref<64x512xf32, #tpu.memory_space<vmem>>, vector<16xf32>,
      %swap3A_57 = arith.index_cast %add3A_42 : i32 to index
      %swap3A_58 = arith.constant 80 : index
      %swap3A_59 = tpu.vector_load %arg8[%swap3A_57, %swap3A_58] {strides = array<i32>} : memref<64x512xf32, #tpu.memory_space<vmem>>, vector<16xf32>,
      tpu.vector_store %arg8[%swap3A_57, %swap3A_58], %broadcast_in_dim3A_5 {strides = array<i32>} : memref<64x512xf32, #tpu.memory_space<vmem>>, vector<16xf32>,
      %swap3A_60 = arith.index_cast %add3A_42 : i32 to index
      %swap3A_61 = arith.constant 96 : index
      %swap3A_62 = tpu.vector_load %arg8[%swap3A_60, %swap3A_61] {strides = array<i32>} : memref<64x512xf32, #tpu.memory_space<vmem>>, vector<16xf32>,
      tpu.vector_store %arg8[%swap3A_60, %swap3A_61], %broadcast_in_dim3A_5 {strides = array<i32>} : memref<64x512xf32, #tpu.memory_space<vmem>>, vector<16xf32>,
      %swap3A_63 = arith.index_cast %add3A_42 : i32 to index
      %swap3A_64 = arith.constant 112 : index
      %swap3A_65 = tpu.vector_load %arg8[%swap3A_63, %swap3A_64] {strides = array<i32>} : memref<64x512xf32, #tpu.memory_space<vmem>>, vector<16xf32>,
      tpu.vector_store %arg8[%swap3A_63, %swap3A_64], %broadcast_in_dim3A_5 {strides = array<i32>} : memref<64x512xf32, #tpu.memory_space<vmem>>, vector<16xf32>,
      %swap3A_66 = arith.index_cast %add3A_42 : i32 to index
      %swap3A_67 = arith.constant 128 : index
      %swap3A_68 = tpu.vector_load %arg8[%swap3A_66, %swap3A_67] {strides = array<i32>} : memref<64x512xf32, #tpu.memory_space<vmem>>, vector<16xf32>,
      tpu.vector_store %arg8[%swap3A_66, %swap3A_67], %broadcast_in_dim3A_5 {strides = array<i32>} : memref<64x512xf32, #tpu.memory_space<vmem>>, vector<16xf32>,
      %swap3A_69 = arith.index_cast %add3A_42 : i32 to index
      %swap3A_70 = arith.constant 144 : index
      %swap3A_71 = tpu.vector_load %arg8[%swap3A_69, %swap3A_70] {strides = array<i32>} : memref<64x512xf32, #tpu.memory_space<vmem>>, vector<16xf32>,
      tpu.vector_store %arg8[%swap3A_69, %swap3A_70], %broadcast_in_dim3A_5 {strides = array<i32>} : memref<64x512xf32, #tpu.memory_space<vmem>>, vector<16xf32>,
      %swap3A_72 = arith.index_cast %add3A_42 : i32 to index
      %swap3A_73 = arith.constant 160 : index
      %swap3A_74 = tpu.vector_load %arg8[%swap3A_72, %swap3A_73] {strides = array<i32>} : memref<64x512xf32, #tpu.memory_space<vmem>>, vector<16xf32>,
      tpu.vector_store %arg8[%swap3A_72, %swap3A_73], %broadcast_in_dim3A_5 {strides = array<i32>} : memref<64x512xf32, #tpu.memory_space<vmem>>, vector<16xf32>,
      %swap3A_75 = arith.index_cast %add3A_42 : i32 to index
      %swap3A_76 = arith.constant 176 : index
      %swap3A_77 = tpu.vector_load %arg8[%swap3A_75, %swap3A_76] {strides = array<i32>} : memref<64x512xf32, #tpu.memory_space<vmem>>, vector<16xf32>,
      tpu.vector_store %arg8[%swap3A_75, %swap3A_76], %broadcast_in_dim3A_5 {strides = array<i32>} : memref<64x512xf32, #tpu.memory_space<vmem>>, vector<16xf32>,
      %swap3A_78 = arith.index_cast %add3A_42 : i32 to index
      %swap3A_79 = arith.constant 192 : index
      %swap3A_80 = tpu.vector_load %arg8[%swap3A_78, %swap3A_79] {strides = array<i32>} : memref<64x512xf32, #tpu.memory_space<vmem>>, vector<16xf32>,
      tpu.vector_store %arg8[%swap3A_78, %swap3A_79], %broadcast_in_dim3A_5 {strides = array<i32>} : memref<64x512xf32, #tpu.memory_space<vmem>>, vector<16xf32>,
      %swap3A_81 = arith.index_cast %add3A_42 : i32 to index
      %swap3A_82 = arith.constant 208 : index
      %swap3A_83 = tpu.vector_load %arg8[%swap3A_81, %swap3A_82] {strides = array<i32>} : memref<64x512xf32, #tpu.memory_space<vmem>>, vector<16xf32>,
      tpu.vector_store %arg8[%swap3A_81, %swap3A_82], %broadcast_in_dim3A_5 {strides = array<i32>} : memref<64x512xf32, #tpu.memory_space<vmem>>, vector<16xf32>,
      %swap3A_84 = arith.index_cast %add3A_42 : i32 to index
      %swap3A_85 = arith.constant 224 : index
      %swap3A_86 = tpu.vector_load %arg8[%swap3A_84, %swap3A_85] {strides = array<i32>} : memref<64x512xf32, #tpu.memory_space<vmem>>, vector<16xf32>,
      tpu.vector_store %arg8[%swap3A_84, %swap3A_85], %broadcast_in_dim3A_5 {strides = array<i32>} : memref<64x512xf32, #tpu.memory_space<vmem>>, vector<16xf32>,
      %swap3A_87 = arith.index_cast %add3A_42 : i32 to index
      %swap3A_88 = arith.constant 240 : index
      %swap3A_89 = tpu.vector_load %arg8[%swap3A_87, %swap3A_88] {strides = array<i32>} : memref<64x512xf32, #tpu.memory_space<vmem>>, vector<16xf32>,
      tpu.vector_store %arg8[%swap3A_87, %swap3A_88], %broadcast_in_dim3A_5 {strides = array<i32>} : memref<64x512xf32, #tpu.memory_space<vmem>>, vector<16xf32>,
      %swap3A_90 = arith.index_cast %add3A_42 : i32 to index
      %swap3A_91 = arith.constant 256 : index
      %swap3A_92 = tpu.vector_load %arg8[%swap3A_90, %swap3A_91] {strides = array<i32>} : memref<64x512xf32, #tpu.memory_space<vmem>>, vector<16xf32>,
      tpu.vector_store %arg8[%swap3A_90, %swap3A_91], %broadcast_in_dim3A_5 {strides = array<i32>} : memref<64x512xf32, #tpu.memory_space<vmem>>, vector<16xf32>,
      %swap3A_93 = arith.index_cast %add3A_42 : i32 to index
      %swap3A_94 = arith.constant 272 : index
      %swap3A_95 = tpu.vector_load %arg8[%swap3A_93, %swap3A_94] {strides = array<i32>} : memref<64x512xf32, #tpu.memory_space<vmem>>, vector<16xf32>,
      tpu.vector_store %arg8[%swap3A_93, %swap3A_94], %broadcast_in_dim3A_5 {strides = array<i32>} : memref<64x512xf32, #tpu.memory_space<vmem>>, vector<16xf32>,
      %swap3A_96 = arith.index_cast %add3A_42 : i32 to index
      %swap3A_97 = arith.constant 288 : index
      %swap3A_98 = tpu.vector_load %arg8[%swap3A_96, %swap3A_97] {strides = array<i32>} : memref<64x512xf32, #tpu.memory_space<vmem>>, vector<16xf32>,
      tpu.vector_store %arg8[%swap3A_96, %swap3A_97], %broadcast_in_dim3A_5 {strides = array<i32>} : memref<64x512xf32, #tpu.memory_space<vmem>>, vector<16xf32>,
      %swap3A_99 = arith.index_cast %add3A_42 : i32 to index
      %swap3A_100 = arith.constant 304 : index
      %swap3A_101 = tpu.vector_load %arg8[%swap3A_99, %swap3A_100] {strides = array<i32>} : memref<64x512xf32, #tpu.memory_space<vmem>>, vector<16xf32>,
      tpu.vector_store %arg8[%swap3A_99, %swap3A_100], %broadcast_in_dim3A_5 {strides = array<i32>} : memref<64x512xf32, #tpu.memory_space<vmem>>, vector<16xf32>,
      %swap3A_102 = arith.index_cast %add3A_42 : i32 to index
      %swap3A_103 = arith.constant 320 : index
      %swap3A_104 = tpu.vector_load %arg8[%swap3A_102, %swap3A_103] {strides = array<i32>} : memref<64x512xf32, #tpu.memory_space<vmem>>, vector<16xf32>,
      tpu.vector_store %arg8[%swap3A_102, %swap3A_103], %broadcast_in_dim3A_5 {strides = array<i32>} : memref<64x512xf32, #tpu.memory_space<vmem>>, vector<16xf32>,
      %swap3A_105 = arith.index_cast %add3A_42 : i32 to index
      %swap3A_106 = arith.constant 336 : index
      %swap3A_107 = tpu.vector_load %arg8[%swap3A_105, %swap3A_106] {strides = array<i32>} : memref<64x512xf32, #tpu.memory_space<vmem>>, vector<16xf32>,
      tpu.vector_store %arg8[%swap3A_105, %swap3A_106], %broadcast_in_dim3A_5 {strides = array<i32>} : memref<64x512xf32, #tpu.memory_space<vmem>>, vector<16xf32>,
      %swap3A_108 = arith.index_cast %add3A_42 : i32 to index
      %swap3A_109 = arith.constant 352 : index
      %swap3A_110 = tpu.vector_load %arg8[%swap3A_108, %swap3A_109] {strides = array<i32>} : memref<64x512xf32, #tpu.memory_space<vmem>>, vector<16xf32>,
      tpu.vector_store %arg8[%swap3A_108, %swap3A_109], %broadcast_in_dim3A_5 {strides = array<i32>} : memref<64x512xf32, #tpu.memory_space<vmem>>, vector<16xf32>,
      %swap3A_111 = arith.index_cast %add3A_42 : i32 to index
      %swap3A_112 = arith.constant 368 : index
      %swap3A_113 = tpu.vector_load %arg8[%swap3A_111, %swap3A_112] {strides = array<i32>} : memref<64x512xf32, #tpu.memory_space<vmem>>, vector<16xf32>,
      tpu.vector_store %arg8[%swap3A_111, %swap3A_112], %broadcast_in_dim3A_5 {strides = array<i32>} : memref<64x512xf32, #tpu.memory_space<vmem>>, vector<16xf32>,
      %swap3A_114 = arith.index_cast %add3A_42 : i32 to index
      %swap3A_115 = arith.constant 384 : index
      %swap3A_116 = tpu.vector_load %arg8[%swap3A_114, %swap3A_115] {strides = array<i32>} : memref<64x512xf32, #tpu.memory_space<vmem>>, vector<16xf32>,
      tpu.vector_store %arg8[%swap3A_114, %swap3A_115], %broadcast_in_dim3A_5 {strides = array<i32>} : memref<64x512xf32, #tpu.memory_space<vmem>>, vector<16xf32>,
      %swap3A_117 = arith.index_cast %add3A_42 : i32 to index
      %swap3A_118 = arith.constant 400 : index
      %swap3A_119 = tpu.vector_load %arg8[%swap3A_117, %swap3A_118] {strides = array<i32>} : memref<64x512xf32, #tpu.memory_space<vmem>>, vector<16xf32>,
      tpu.vector_store %arg8[%swap3A_117, %swap3A_118], %broadcast_in_dim3A_5 {strides = array<i32>} : memref<64x512xf32, #tpu.memory_space<vmem>>, vector<16xf32>,
      %swap3A_120 = arith.index_cast %add3A_42 : i32 to index
      %swap3A_121 = arith.constant 416 : index
      %swap3A_122 = tpu.vector_load %arg8[%swap3A_120, %swap3A_121] {strides = array<i32>} : memref<64x512xf32, #tpu.memory_space<vmem>>, vector<16xf32>,
      tpu.vector_store %arg8[%swap3A_120, %swap3A_121], %broadcast_in_dim3A_5 {strides = array<i32>} : memref<64x512xf32, #tpu.memory_space<vmem>>, vector<16xf32>,
      %swap3A_123 = arith.index_cast %add3A_42 : i32 to index
      %swap3A_124 = arith.constant 432 : index
      %swap3A_125 = tpu.vector_load %arg8[%swap3A_123, %swap3A_124] {strides = array<i32>} : memref<64x512xf32, #tpu.memory_space<vmem>>, vector<16xf32>,
      tpu.vector_store %arg8[%swap3A_123, %swap3A_124], %broadcast_in_dim3A_5 {strides = array<i32>} : memref<64x512xf32, #tpu.memory_space<vmem>>, vector<16xf32>,
      %swap3A_126 = arith.index_cast %add3A_42 : i32 to index
      %swap3A_127 = arith.constant 448 : index
      %swap3A_128 = tpu.vector_load %arg8[%swap3A_126, %swap3A_127] {strides = array<i32>} : memref<64x512xf32, #tpu.memory_space<vmem>>, vector<16xf32>,
      tpu.vector_store %arg8[%swap3A_126, %swap3A_127], %broadcast_in_dim3A_5 {strides = array<i32>} : memref<64x512xf32, #tpu.memory_space<vmem>>, vector<16xf32>,
      %swap3A_129 = arith.index_cast %add3A_42 : i32 to index
      %swap3A_130 = arith.constant 464 : index
      %swap3A_131 = tpu.vector_load %arg8[%swap3A_129, %swap3A_130] {strides = array<i32>} : memref<64x512xf32, #tpu.memory_space<vmem>>, vector<16xf32>,
      tpu.vector_store %arg8[%swap3A_129, %swap3A_130], %broadcast_in_dim3A_5 {strides = array<i32>} : memref<64x512xf32, #tpu.memory_space<vmem>>, vector<16xf32>,
      %swap3A_132 = arith.index_cast %add3A_42 : i32 to index
      %swap3A_133 = arith.constant 480 : index
      %swap3A_134 = tpu.vector_load %arg8[%swap3A_132, %swap3A_133] {strides = array<i32>} : memref<64x512xf32, #tpu.memory_space<vmem>>, vector<16xf32>,
      tpu.vector_store %arg8[%swap3A_132, %swap3A_133], %broadcast_in_dim3A_5 {strides = array<i32>} : memref<64x512xf32, #tpu.memory_space<vmem>>, vector<16xf32>,
      %swap3A_135 = arith.index_cast %add3A_42 : i32 to index
      %swap3A_136 = arith.constant 496 : index
      %swap3A_137 = tpu.vector_load %arg8[%swap3A_135, %swap3A_136] {strides = array<i32>} : memref<64x512xf32, #tpu.memory_space<vmem>>, vector<16xf32>,
      tpu.vector_store %arg8[%swap3A_135, %swap3A_136], %broadcast_in_dim3A_5 {strides = array<i32>} : memref<64x512xf32, #tpu.memory_space<vmem>>, vector<16xf32>,
    }
    %scan3A_9 = arith.constant 64 : i32
    %scan3A_10 = arith.constant 0 : i32
    %scan3A_11 = arith.constant 64 : i32
    %scan3A_12 = arith.addi %scan3A_10, %scan3A_11 : i32
    %scan3A_13 = arith.constant 1 : i32
    scf.for %scan3A_38 = %scan3A_10 to %scan3A_12 step %scan3A_13  : i32 {
      %mul3A_39 = arith.constant 1 : i32
      %mul3A_40 = arith.muli %scan3A_38, %mul3A_39 : i32
      %add3A_41 = arith.constant 0 : i32
      %add3A_42 = arith.addi %add3A_41, %mul3A_40 : i32
      %swap3A = arith.index_cast %add3A_42 : i32 to index
      %swap3A_43 = arith.constant 0 : index
      %swap3A_44 = tpu.vector_load %arg9[%swap3A, %swap3A_43] {strides = array<i32>} : memref<64x512xf32, #tpu.memory_space<vmem>>, vector<16xf32>,
      tpu.vector_store %arg9[%swap3A, %swap3A_43], %broadcast_in_dim3A_5 {strides = array<i32>} : memref<64x512xf32, #tpu.memory_space<vmem>>, vector<16xf32>,
      %swap3A_45 = arith.index_cast %add3A_42 : i32 to index
      %swap3A_46 = arith.constant 16 : index
      %swap3A_47 = tpu.vector_load %arg9[%swap3A_45, %swap3A_46] {strides = array<i32>} : memref<64x512xf32, #tpu.memory_space<vmem>>, vector<16xf32>,
      tpu.vector_store %arg9[%swap3A_45, %swap3A_46], %broadcast_in_dim3A_5 {strides = array<i32>} : memref<64x512xf32, #tpu.memory_space<vmem>>, vector<16xf32>,
      %swap3A_48 = arith.index_cast %add3A_42 : i32 to index
      %swap3A_49 = arith.constant 32 : index
      %swap3A_50 = tpu.vector_load %arg9[%swap3A_48, %swap3A_49] {strides = array<i32>} : memref<64x512xf32, #tpu.memory_space<vmem>>, vector<16xf32>,
      tpu.vector_store %arg9[%swap3A_48, %swap3A_49], %broadcast_in_dim3A_5 {strides = array<i32>} : memref<64x512xf32, #tpu.memory_space<vmem>>, vector<16xf32>,
      %swap3A_51 = arith.index_cast %add3A_42 : i32 to index
      %swap3A_52 = arith.constant 48 : index
      %swap3A_53 = tpu.vector_load %arg9[%swap3A_51, %swap3A_52] {strides = array<i32>} : memref<64x512xf32, #tpu.memory_space<vmem>>, vector<16xf32>,
      tpu.vector_store %arg9[%swap3A_51, %swap3A_52], %broadcast_in_dim3A_5 {strides = array<i32>} : memref<64x512xf32, #tpu.memory_space<vmem>>, vector<16xf32>,
      %swap3A_54 = arith.index_cast %add3A_42 : i32 to index
      %swap3A_55 = arith.constant 64 : index
      %swap3A_56 = tpu.vector_load %arg9[%swap3A_54, %swap3A_55] {strides = array<i32>} : memref<64x512xf32, #tpu.memory_space<vmem>>, vector<16xf32>,
      tpu.vector_store %arg9[%swap3A_54, %swap3A_55], %broadcast_in_dim3A_5 {strides = array<i32>} : memref<64x512xf32, #tpu.memory_space<vmem>>, vector<16xf32>,
      %swap3A_57 = arith.index_cast %add3A_42 : i32 to index
      %swap3A_58 = arith.constant 80 : index
      %swap3A_59 = tpu.vector_load %arg9[%swap3A_57, %swap3A_58] {strides = array<i32>} : memref<64x512xf32, #tpu.memory_space<vmem>>, vector<16xf32>,
      tpu.vector_store %arg9[%swap3A_57, %swap3A_58], %broadcast_in_dim3A_5 {strides = array<i32>} : memref<64x512xf32, #tpu.memory_space<vmem>>, vector<16xf32>,
      %swap3A_60 = arith.index_cast %add3A_42 : i32 to index
      %swap3A_61 = arith.constant 96 : index
      %swap3A_62 = tpu.vector_load %arg9[%swap3A_60, %swap3A_61] {strides = array<i32>} : memref<64x512xf32, #tpu.memory_space<vmem>>, vector<16xf32>,
      tpu.vector_store %arg9[%swap3A_60, %swap3A_61], %broadcast_in_dim3A_5 {strides = array<i32>} : memref<64x512xf32, #tpu.memory_space<vmem>>, vector<16xf32>,
      %swap3A_63 = arith.index_cast %add3A_42 : i32 to index
      %swap3A_64 = arith.constant 112 : index
      %swap3A_65 = tpu.vector_load %arg9[%swap3A_63, %swap3A_64] {strides = array<i32>} : memref<64x512xf32, #tpu.memory_space<vmem>>, vector<16xf32>,
      tpu.vector_store %arg9[%swap3A_63, %swap3A_64], %broadcast_in_dim3A_5 {strides = array<i32>} : memref<64x512xf32, #tpu.memory_space<vmem>>, vector<16xf32>,
      %swap3A_66 = arith.index_cast %add3A_42 : i32 to index
      %swap3A_67 = arith.constant 128 : index
      %swap3A_68 = tpu.vector_load %arg9[%swap3A_66, %swap3A_67] {strides = array<i32>} : memref<64x512xf32, #tpu.memory_space<vmem>>, vector<16xf32>,
      tpu.vector_store %arg9[%swap3A_66, %swap3A_67], %broadcast_in_dim3A_5 {strides = array<i32>} : memref<64x512xf32, #tpu.memory_space<vmem>>, vector<16xf32>,
      %swap3A_69 = arith.index_cast %add3A_42 : i32 to index
      %swap3A_70 = arith.constant 144 : index
      %swap3A_71 = tpu.vector_load %arg9[%swap3A_69, %swap3A_70] {strides = array<i32>} : memref<64x512xf32, #tpu.memory_space<vmem>>, vector<16xf32>,
      tpu.vector_store %arg9[%swap3A_69, %swap3A_70], %broadcast_in_dim3A_5 {strides = array<i32>} : memref<64x512xf32, #tpu.memory_space<vmem>>, vector<16xf32>,
      %swap3A_72 = arith.index_cast %add3A_42 : i32 to index
      %swap3A_73 = arith.constant 160 : index
      %swap3A_74 = tpu.vector_load %arg9[%swap3A_72, %swap3A_73] {strides = array<i32>} : memref<64x512xf32, #tpu.memory_space<vmem>>, vector<16xf32>,
      tpu.vector_store %arg9[%swap3A_72, %swap3A_73], %broadcast_in_dim3A_5 {strides = array<i32>} : memref<64x512xf32, #tpu.memory_space<vmem>>, vector<16xf32>,
      %swap3A_75 = arith.index_cast %add3A_42 : i32 to index
      %swap3A_76 = arith.constant 176 : index
      %swap3A_77 = tpu.vector_load %arg9[%swap3A_75, %swap3A_76] {strides = array<i32>} : memref<64x512xf32, #tpu.memory_space<vmem>>, vector<16xf32>,
      tpu.vector_store %arg9[%swap3A_75, %swap3A_76], %broadcast_in_dim3A_5 {strides = array<i32>} : memref<64x512xf32, #tpu.memory_space<vmem>>, vector<16xf32>,
      %swap3A_78 = arith.index_cast %add3A_42 : i32 to index
      %swap3A_79 = arith.constant 192 : index
      %swap3A_80 = tpu.vector_load %arg9[%swap3A_78, %swap3A_79] {strides = array<i32>} : memref<64x512xf32, #tpu.memory_space<vmem>>, vector<16xf32>,
      tpu.vector_store %arg9[%swap3A_78, %swap3A_79], %broadcast_in_dim3A_5 {strides = array<i32>} : memref<64x512xf32, #tpu.memory_space<vmem>>, vector<16xf32>,
      %swap3A_81 = arith.index_cast %add3A_42 : i32 to index
      %swap3A_82 = arith.constant 208 : index
      %swap3A_83 = tpu.vector_load %arg9[%swap3A_81, %swap3A_82] {strides = array<i32>} : memref<64x512xf32, #tpu.memory_space<vmem>>, vector<16xf32>,
      tpu.vector_store %arg9[%swap3A_81, %swap3A_82], %broadcast_in_dim3A_5 {strides = array<i32>} : memref<64x512xf32, #tpu.memory_space<vmem>>, vector<16xf32>,
      %swap3A_84 = arith.index_cast %add3A_42 : i32 to index
      %swap3A_85 = arith.constant 224 : index
      %swap3A_86 = tpu.vector_load %arg9[%swap3A_84, %swap3A_85] {strides = array<i32>} : memref<64x512xf32, #tpu.memory_space<vmem>>, vector<16xf32>,
      tpu.vector_store %arg9[%swap3A_84, %swap3A_85], %broadcast_in_dim3A_5 {strides = array<i32>} : memref<64x512xf32, #tpu.memory_space<vmem>>, vector<16xf32>,
      %swap3A_87 = arith.index_cast %add3A_42 : i32 to index
      %swap3A_88 = arith.constant 240 : index
      %swap3A_89 = tpu.vector_load %arg9[%swap3A_87, %swap3A_88] {strides = array<i32>} : memref<64x512xf32, #tpu.memory_space<vmem>>, vector<16xf32>,
      tpu.vector_store %arg9[%swap3A_87, %swap3A_88], %broadcast_in_dim3A_5 {strides = array<i32>} : memref<64x512xf32, #tpu.memory_space<vmem>>, vector<16xf32>,
      %swap3A_90 = arith.index_cast %add3A_42 : i32 to index
      %swap3A_91 = arith.constant 256 : index
      %swap3A_92 = tpu.vector_load %arg9[%swap3A_90, %swap3A_91] {strides = array<i32>} : memref<64x512xf32, #tpu.memory_space<vmem>>, vector<16xf32>,
      tpu.vector_store %arg9[%swap3A_90, %swap3A_91], %broadcast_in_dim3A_5 {strides = array<i32>} : memref<64x512xf32, #tpu.memory_space<vmem>>, vector<16xf32>,
      %swap3A_93 = arith.index_cast %add3A_42 : i32 to index
      %swap3A_94 = arith.constant 272 : index
      %swap3A_95 = tpu.vector_load %arg9[%swap3A_93, %swap3A_94] {strides = array<i32>} : memref<64x512xf32, #tpu.memory_space<vmem>>, vector<16xf32>,
      tpu.vector_store %arg9[%swap3A_93, %swap3A_94], %broadcast_in_dim3A_5 {strides = array<i32>} : memref<64x512xf32, #tpu.memory_space<vmem>>, vector<16xf32>,
      %swap3A_96 = arith.index_cast %add3A_42 : i32 to index
      %swap3A_97 = arith.constant 288 : index
      %swap3A_98 = tpu.vector_load %arg9[%swap3A_96, %swap3A_97] {strides = array<i32>} : memref<64x512xf32, #tpu.memory_space<vmem>>, vector<16xf32>,
      tpu.vector_store %arg9[%swap3A_96, %swap3A_97], %broadcast_in_dim3A_5 {strides = array<i32>} : memref<64x512xf32, #tpu.memory_space<vmem>>, vector<16xf32>,
      %swap3A_99 = arith.index_cast %add3A_42 : i32 to index
      %swap3A_100 = arith.constant 304 : index
      %swap3A_101 = tpu.vector_load %arg9[%swap3A_99, %swap3A_100] {strides = array<i32>} : memref<64x512xf32, #tpu.memory_space<vmem>>, vector<16xf32>,
      tpu.vector_store %arg9[%swap3A_99, %swap3A_100], %broadcast_in_dim3A_5 {strides = array<i32>} : memref<64x512xf32, #tpu.memory_space<vmem>>, vector<16xf32>,
      %swap3A_102 = arith.index_cast %add3A_42 : i32 to index
      %swap3A_103 = arith.constant 320 : index
      %swap3A_104 = tpu.vector_load %arg9[%swap3A_102, %swap3A_103] {strides = array<i32>} : memref<64x512xf32, #tpu.memory_space<vmem>>, vector<16xf32>,
      tpu.vector_store %arg9[%swap3A_102, %swap3A_103], %broadcast_in_dim3A_5 {strides = array<i32>} : memref<64x512xf32, #tpu.memory_space<vmem>>, vector<16xf32>,
      %swap3A_105 = arith.index_cast %add3A_42 : i32 to index
      %swap3A_106 = arith.constant 336 : index
      %swap3A_107 = tpu.vector_load %arg9[%swap3A_105, %swap3A_106] {strides = array<i32>} : memref<64x512xf32, #tpu.memory_space<vmem>>, vector<16xf32>,
      tpu.vector_store %arg9[%swap3A_105, %swap3A_106], %broadcast_in_dim3A_5 {strides = array<i32>} : memref<64x512xf32, #tpu.memory_space<vmem>>, vector<16xf32>,
      %swap3A_108 = arith.index_cast %add3A_42 : i32 to index
      %swap3A_109 = arith.constant 352 : index
      %swap3A_110 = tpu.vector_load %arg9[%swap3A_108, %swap3A_109] {strides = array<i32>} : memref<64x512xf32, #tpu.memory_space<vmem>>, vector<16xf32>,
      tpu.vector_store %arg9[%swap3A_108, %swap3A_109], %broadcast_in_dim3A_5 {strides = array<i32>} : memref<64x512xf32, #tpu.memory_space<vmem>>, vector<16xf32>,
      %swap3A_111 = arith.index_cast %add3A_42 : i32 to index
      %swap3A_112 = arith.constant 368 : index
      %swap3A_113 = tpu.vector_load %arg9[%swap3A_111, %swap3A_112] {strides = array<i32>} : memref<64x512xf32, #tpu.memory_space<vmem>>, vector<16xf32>,
      tpu.vector_store %arg9[%swap3A_111, %swap3A_112], %broadcast_in_dim3A_5 {strides = array<i32>} : memref<64x512xf32, #tpu.memory_space<vmem>>, vector<16xf32>,
      %swap3A_114 = arith.index_cast %add3A_42 : i32 to index
      %swap3A_115 = arith.constant 384 : index
      %swap3A_116 = tpu.vector_load %arg9[%swap3A_114, %swap3A_115] {strides = array<i32>} : memref<64x512xf32, #tpu.memory_space<vmem>>, vector<16xf32>,
      tpu.vector_store %arg9[%swap3A_114, %swap3A_115], %broadcast_in_dim3A_5 {strides = array<i32>} : memref<64x512xf32, #tpu.memory_space<vmem>>, vector<16xf32>,
      %swap3A_117 = arith.index_cast %add3A_42 : i32 to index
      %swap3A_118 = arith.constant 400 : index
      %swap3A_119 = tpu.vector_load %arg9[%swap3A_117, %swap3A_118] {strides = array<i32>} : memref<64x512xf32, #tpu.memory_space<vmem>>, vector<16xf32>,
      tpu.vector_store %arg9[%swap3A_117, %swap3A_118], %broadcast_in_dim3A_5 {strides = array<i32>} : memref<64x512xf32, #tpu.memory_space<vmem>>, vector<16xf32>,
      %swap3A_120 = arith.index_cast %add3A_42 : i32 to index
      %swap3A_121 = arith.constant 416 : index
      %swap3A_122 = tpu.vector_load %arg9[%swap3A_120, %swap3A_121] {strides = array<i32>} : memref<64x512xf32, #tpu.memory_space<vmem>>, vector<16xf32>,
      tpu.vector_store %arg9[%swap3A_120, %swap3A_121], %broadcast_in_dim3A_5 {strides = array<i32>} : memref<64x512xf32, #tpu.memory_space<vmem>>, vector<16xf32>,
      %swap3A_123 = arith.index_cast %add3A_42 : i32 to index
      %swap3A_124 = arith.constant 432 : index
      %swap3A_125 = tpu.vector_load %arg9[%swap3A_123, %swap3A_124] {strides = array<i32>} : memref<64x512xf32, #tpu.memory_space<vmem>>, vector<16xf32>,
      tpu.vector_store %arg9[%swap3A_123, %swap3A_124], %broadcast_in_dim3A_5 {strides = array<i32>} : memref<64x512xf32, #tpu.memory_space<vmem>>, vector<16xf32>,
      %swap3A_126 = arith.index_cast %add3A_42 : i32 to index
      %swap3A_127 = arith.constant 448 : index
      %swap3A_128 = tpu.vector_load %arg9[%swap3A_126, %swap3A_127] {strides = array<i32>} : memref<64x512xf32, #tpu.memory_space<vmem>>, vector<16xf32>,
      tpu.vector_store %arg9[%swap3A_126, %swap3A_127], %broadcast_in_dim3A_5 {strides = array<i32>} : memref<64x512xf32, #tpu.memory_space<vmem>>, vector<16xf32>,
      %swap3A_129 = arith.index_cast %add3A_42 : i32 to index
      %swap3A_130 = arith.constant 464 : index
      %swap3A_131 = tpu.vector_load %arg9[%swap3A_129, %swap3A_130] {strides = array<i32>} : memref<64x512xf32, #tpu.memory_space<vmem>>, vector<16xf32>,
      tpu.vector_store %arg9[%swap3A_129, %swap3A_130], %broadcast_in_dim3A_5 {strides = array<i32>} : memref<64x512xf32, #tpu.memory_space<vmem>>, vector<16xf32>,
      %swap3A_132 = arith.index_cast %add3A_42 : i32 to index
      %swap3A_133 = arith.constant 480 : index
      %swap3A_134 = tpu.vector_load %arg9[%swap3A_132, %swap3A_133] {strides = array<i32>} : memref<64x512xf32, #tpu.memory_space<vmem>>, vector<16xf32>,
      tpu.vector_store %arg9[%swap3A_132, %swap3A_133], %broadcast_in_dim3A_5 {strides = array<i32>} : memref<64x512xf32, #tpu.memory_space<vmem>>, vector<16xf32>,
      %swap3A_135 = arith.index_cast %add3A_42 : i32 to index
      %swap3A_136 = arith.constant 496 : index
      %swap3A_137 = tpu.vector_load %arg9[%swap3A_135, %swap3A_136] {strides = array<i32>} : memref<64x512xf32, #tpu.memory_space<vmem>>, vector<16xf32>,
      tpu.vector_store %arg9[%swap3A_135, %swap3A_136], %broadcast_in_dim3A_5 {strides = array<i32>} : memref<64x512xf32, #tpu.memory_space<vmem>>, vector<16xf32>,
    }
    %scan3A_14 = arith.constant 64 : i32
    %add3A_15 = arith.constant 0 : i32
    %add3A_16 = arith.addi %mul3A_2, %add3A_15 : i32
    %dma_start3A = tpu.memref_slice %arg2[%add3A_16] : memref<2097152xi32, #tpu.memory_space<hbm>> -> memref<512xi32, #tpu.memory_space<hbm>>
    %dma_start3A_17 = tpu.memref_slice %arg2[%add3A_16] : memref<2097152xi32, #tpu.memory_space<hbm>> -> memref<512xi32, #tpu.memory_space<hbm>>
    tpu.enqueue_dma source(%dma_start3A_17 : memref<512xi32, #tpu.memory_space<hbm>>) target(%arg4 : memref<512xi32, #tpu.memory_space<vmem>>) target_semaphore(%arg10 : memref<!tpu.dma_semaphore, #tpu.memory_space<semaphore_mem>>)
    %add3A_18 = arith.constant 512 : i32
    %add3A_19 = arith.addi %mul3A_2, %add3A_18 : i32
    %dma_start3A_20 = tpu.memref_slice %arg2[%add3A_19] : memref<2097152xi32, #tpu.memory_space<hbm>> -> memref<512xi32, #tpu.memory_space<hbm>>
    %dma_start3A_21 = tpu.memref_slice %arg2[%add3A_19] : memref<2097152xi32, #tpu.memory_space<hbm>> -> memref<512xi32, #tpu.memory_space<hbm>>
    tpu.enqueue_dma source(%dma_start3A_21 : memref<512xi32, #tpu.memory_space<hbm>>) target(%arg5 : memref<512xi32, #tpu.memory_space<vmem>>) target_semaphore(%arg10 : memref<!tpu.dma_semaphore, #tpu.memory_space<semaphore_mem>>)
    %scan3A_22 = arith.constant 0 : i32
    %scan3A_23 = arith.constant 64 : i32
    %scan3A_24 = arith.addi %scan3A_22, %scan3A_23 : i32
    %scan3A_25 = arith.constant 1 : i32
    scf.for %scan3A_38 = %scan3A_22 to %scan3A_24 step %scan3A_25  : i32 {
      %mul3A_39 = arith.constant 2 : i32
      %mul3A_40 = arith.muli %scan3A_38, %mul3A_39 : i32
      %add3A_41 = arith.constant 0 : i32
      %add3A_42 = arith.addi %add3A_41, %mul3A_40 : i32
      %add3A_43 = arith.constant 0 : i32
      %add3A_44 = arith.addi %add3A_42, %add3A_43 : i32
      %ge3A = arith.constant 2 : i32
      %ge3A_45 = arith.cmpi sge, %add3A_44, %ge3A : i32
      %convert_element_type3A = arith.extui %ge3A_45 : i1 to i32
      %cond3A = arith.constant 0 : i32
      %cond3A_46 = arith.cmpi ne, %convert_element_type3A, %cond3A : i32
      scf.if %cond3A_46 {
        %dma_wait3A_95 = arith.constant 0 : i32
        %dma_wait3A_96 = arith.constant 0 : i32
        %dma_wait3A_97 = tpu.memref_slice %arg3[%dma_wait3A_95, %dma_wait3A_96] : memref<64x2097152xf32, #tpu.memory_space<hbm>> -> memref<64x512xf32, #tpu.memory_space<hbm>>
        %dma_wait3A_98 = arith.constant 0 : i32
        %dma_wait3A_99 = arith.constant 0 : i32
        %dma_wait3A_100 = tpu.memref_slice %arg3[%dma_wait3A_98, %dma_wait3A_99] : memref<64x2097152xf32, #tpu.memory_space<hbm>> -> memref<64x512xf32, #tpu.memory_space<hbm>>
        tpu.wait_dma2 semaphore(%arg11 : memref<!tpu.dma_semaphore, #tpu.memory_space<semaphore_mem>>) src(%arg8 : memref<64x512xf32, #tpu.memory_space<vmem>>) dst(%dma_wait3A_100 : memref<64x512xf32, #tpu.memory_space<hbm>>)
        %scan3A_101 = arith.constant 0 : i32
        %scan3A_102 = arith.constant 32 : i32
        %scan3A_103 = arith.addi %scan3A_101, %scan3A_102 : i32
        %scan3A_104 = arith.constant 1 : i32
        scf.for %scan3A_106 = %scan3A_101 to %scan3A_103 step %scan3A_104  : i32 {
          %mul3A_107 = arith.constant 16 : i32
          %mul3A_108 = arith.muli %scan3A_106, %mul3A_107 : i32
          %add3A_109 = arith.constant 0 : i32
          %add3A_110 = arith.addi %add3A_109, %mul3A_108 : i32
          %get3A = arith.index_cast %add3A_110 : i32 to index
          %get3A_111 = tpu.vector_load %arg6[%get3A] {strides = array<i32>} : memref<512xi32, #tpu.memory_space<vmem>>, vector<16xi32>,
          %add3A_112 = vector.broadcast %add3A_110 : i32 to vector<16xi32>
          %add3A_113 = arith.addi %add3A_112, %iota3A : vector<16xi32>
          tpu.vector_store_idx %arg8[%get3A_111, %add3A_113], %broadcast_in_dim3A_5 : memref<64x512xf32, #tpu.memory_space<vmem>>[vector<16xi32>, vector<16xi32>], vector<16xf32>,
        }
        %scan3A_105 = arith.constant 32 : i32
      } else {
      }
      %dma_wait3A_47 = tpu.memref_slice %arg2[%mul3A_2] : memref<2097152xi32, #tpu.memory_space<hbm>> -> memref<512xi32, #tpu.memory_space<hbm>>
      %dma_wait3A_48 = tpu.memref_slice %arg2[%mul3A_2] : memref<2097152xi32, #tpu.memory_space<hbm>> -> memref<512xi32, #tpu.memory_space<hbm>>
      tpu.wait_dma2 semaphore(%arg10 : memref<!tpu.dma_semaphore, #tpu.memory_space<semaphore_mem>>) src(%dma_wait3A_48 : memref<512xi32, #tpu.memory_space<hbm>>) dst(%arg4 : memref<512xi32, #tpu.memory_space<vmem>>)
      %scan3A_49 = arith.constant 0 : i32
      %scan3A_50 = arith.constant 32 : i32
      %scan3A_51 = arith.addi %scan3A_49, %scan3A_50 : i32
      %scan3A_52 = arith.constant 1 : i32
      scf.for %scan3A_95 = %scan3A_49 to %scan3A_51 step %scan3A_52  : i32 {
        %mul3A_96 = arith.constant 16 : i32
        %mul3A_97 = arith.muli %scan3A_95, %mul3A_96 : i32
        %add3A_98 = arith.constant 0 : i32
        %add3A_99 = arith.addi %add3A_98, %mul3A_97 : i32
        %get3A = arith.index_cast %add3A_99 : i32 to index
        %get3A_100 = tpu.vector_load %arg4[%get3A] {strides = array<i32>} : memref<512xi32, #tpu.memory_space<vmem>>, vector<16xi32>,
        %add3A_101 = vector.broadcast %add3A_99 : i32 to vector<16xi32>
        %add3A_102 = arith.addi %add3A_101, %iota3A : vector<16xi32>
        tpu.vector_store_idx %arg8[%get3A_100, %add3A_102], %broadcast_in_dim3A_3 : memref<64x512xf32, #tpu.memory_space<vmem>>[vector<16xi32>, vector<16xi32>], vector<16xf32>,
        %swap3A = arith.index_cast %add3A_99 : i32 to index
        %swap3A_103 = tpu.vector_load %arg6[%swap3A] {strides = array<i32>} : memref<512xi32, #tpu.memory_space<vmem>>, vector<16xi32>,
        tpu.vector_store %arg6[%swap3A], %get3A_100 {strides = array<i32>} : memref<512xi32, #tpu.memory_space<vmem>>, vector<16xi32>,
      }
      %scan3A_53 = arith.constant 32 : i32
      %mul3A_54 = arith.constant 512 : i32
      %mul3A_55 = arith.muli %add3A_44, %mul3A_54 : i32
      %add3A_56 = arith.addi %mul3A_2, %mul3A_55 : i32
      %dma_start3A_57 = arith.constant 0 : i32
      %dma_start3A_58 = tpu.memref_slice %arg3[%dma_start3A_57, %add3A_56] : memref<64x2097152xf32, #tpu.memory_space<hbm>> -> memref<64x512xf32, #tpu.memory_space<hbm>>
      %dma_start3A_59 = arith.constant 0 : i32
      %dma_start3A_60 = tpu.memref_slice %arg3[%dma_start3A_59, %add3A_56] : memref<64x2097152xf32, #tpu.memory_space<hbm>> -> memref<64x512xf32, #tpu.memory_space<hbm>>
      tpu.enqueue_dma source(%arg8 : memref<64x512xf32, #tpu.memory_space<vmem>>) target(%dma_start3A_60 : memref<64x512xf32, #tpu.memory_space<hbm>>) target_semaphore(%arg11 : memref<!tpu.dma_semaphore, #tpu.memory_space<semaphore_mem>>)
      %add3A_61 = arith.constant 2 : i32
      %add3A_62 = arith.addi %add3A_44, %add3A_61 : i32
      %lt3A = arith.constant 128 : i32
      %lt3A_63 = arith.cmpi slt, %add3A_62, %lt3A : i32
      %convert_element_type3A_64 = arith.extui %lt3A_63 : i1 to i32
      %cond3A_65 = arith.constant 0 : i32
      %cond3A_66 = arith.cmpi ne, %convert_element_type3A_64, %cond3A_65 : i32
      scf.if %cond3A_66 {
        %add3A_95 = arith.constant 2 : i32
        %add3A_96 = arith.addi %add3A_44, %add3A_95 : i32
        %mul3A_97 = arith.constant 512 : i32
        %mul3A_98 = arith.muli %add3A_96, %mul3A_97 : i32
        %add3A_99 = arith.addi %mul3A_2, %mul3A_98 : i32
        %dma_start3A_100 = tpu.memref_slice %arg2[%add3A_99] : memref<2097152xi32, #tpu.memory_space<hbm>> -> memref<512xi32, #tpu.memory_space<hbm>>
        %dma_start3A_101 = tpu.memref_slice %arg2[%add3A_99] : memref<2097152xi32, #tpu.memory_space<hbm>> -> memref<512xi32, #tpu.memory_space<hbm>>
        tpu.enqueue_dma source(%dma_start3A_101 : memref<512xi32, #tpu.memory_space<hbm>>) target(%arg4 : memref<512xi32, #tpu.memory_space<vmem>>) target_semaphore(%arg10 : memref<!tpu.dma_semaphore, #tpu.memory_space<semaphore_mem>>)
      } else {
      }
      %add3A_67 = arith.constant 1 : i32
      %add3A_68 = arith.addi %add3A_42, %add3A_67 : i32
      %ge3A_69 = arith.constant 2 : i32
      %ge3A_70 = arith.cmpi sge, %add3A_68, %ge3A_69 : i32
      %convert_element_type3A_71 = arith.extui %ge3A_70 : i1 to i32
      %cond3A_72 = arith.constant 0 : i32
      %cond3A_73 = arith.cmpi ne, %convert_element_type3A_71, %cond3A_72 : i32
      scf.if %cond3A_73 {
        %dma_wait3A_95 = arith.constant 0 : i32
        %dma_wait3A_96 = arith.constant 0 : i32
        %dma_wait3A_97 = tpu.memref_slice %arg3[%dma_wait3A_95, %dma_wait3A_96] : memref<64x2097152xf32, #tpu.memory_space<hbm>> -> memref<64x512xf32, #tpu.memory_space<hbm>>
        %dma_wait3A_98 = arith.constant 0 : i32
        %dma_wait3A_99 = arith.constant 0 : i32
        %dma_wait3A_100 = tpu.memref_slice %arg3[%dma_wait3A_98, %dma_wait3A_99] : memref<64x2097152xf32, #tpu.memory_space<hbm>> -> memref<64x512xf32, #tpu.memory_space<hbm>>
        tpu.wait_dma2 semaphore(%arg11 : memref<!tpu.dma_semaphore, #tpu.memory_space<semaphore_mem>>) src(%arg9 : memref<64x512xf32, #tpu.memory_space<vmem>>) dst(%dma_wait3A_100 : memref<64x512xf32, #tpu.memory_space<hbm>>)
        %scan3A_101 = arith.constant 0 : i32
        %scan3A_102 = arith.constant 32 : i32
        %scan3A_103 = arith.addi %scan3A_101, %scan3A_102 : i32
        %scan3A_104 = arith.constant 1 : i32
        scf.for %scan3A_106 = %scan3A_101 to %scan3A_103 step %scan3A_104  : i32 {
          %mul3A_107 = arith.constant 16 : i32
          %mul3A_108 = arith.muli %scan3A_106, %mul3A_107 : i32
          %add3A_109 = arith.constant 0 : i32
          %add3A_110 = arith.addi %add3A_109, %mul3A_108 : i32
          %get3A = arith.index_cast %add3A_110 : i32 to index
          %get3A_111 = tpu.vector_load %arg7[%get3A] {strides = array<i32>} : memref<512xi32, #tpu.memory_space<vmem>>, vector<16xi32>,
          %add3A_112 = vector.broadcast %add3A_110 : i32 to vector<16xi32>
          %add3A_113 = arith.addi %add3A_112, %iota3A : vector<16xi32>
          tpu.vector_store_idx %arg9[%get3A_111, %add3A_113], %broadcast_in_dim3A_5 : memref<64x512xf32, #tpu.memory_space<vmem>>[vector<16xi32>, vector<16xi32>], vector<16xf32>,
        }
        %scan3A_105 = arith.constant 32 : i32
      } else {
      }
      %dma_wait3A_74 = tpu.memref_slice %arg2[%mul3A_2] : memref<2097152xi32, #tpu.memory_space<hbm>> -> memref<512xi32, #tpu.memory_space<hbm>>
      %dma_wait3A_75 = tpu.memref_slice %arg2[%mul3A_2] : memref<2097152xi32, #tpu.memory_space<hbm>> -> memref<512xi32, #tpu.memory_space<hbm>>
      tpu.wait_dma2 semaphore(%arg10 : memref<!tpu.dma_semaphore, #tpu.memory_space<semaphore_mem>>) src(%dma_wait3A_75 : memref<512xi32, #tpu.memory_space<hbm>>) dst(%arg5 : memref<512xi32, #tpu.memory_space<vmem>>)
      %scan3A_76 = arith.constant 0 : i32
      %scan3A_77 = arith.constant 32 : i32
      %scan3A_78 = arith.addi %scan3A_76, %scan3A_77 : i32
      %scan3A_79 = arith.constant 1 : i32
      scf.for %scan3A_95 = %scan3A_76 to %scan3A_78 step %scan3A_79  : i32 {
        %mul3A_96 = arith.constant 16 : i32
        %mul3A_97 = arith.muli %scan3A_95, %mul3A_96 : i32
        %add3A_98 = arith.constant 0 : i32
        %add3A_99 = arith.addi %add3A_98, %mul3A_97 : i32
        %get3A = arith.index_cast %add3A_99 : i32 to index
        %get3A_100 = tpu.vector_load %arg5[%get3A] {strides = array<i32>} : memref<512xi32, #tpu.memory_space<vmem>>, vector<16xi32>,
        %add3A_101 = vector.broadcast %add3A_99 : i32 to vector<16xi32>
        %add3A_102 = arith.addi %add3A_101, %iota3A : vector<16xi32>
        tpu.vector_store_idx %arg9[%get3A_100, %add3A_102], %broadcast_in_dim3A_3 : memref<64x512xf32, #tpu.memory_space<vmem>>[vector<16xi32>, vector<16xi32>], vector<16xf32>,
        %swap3A = arith.index_cast %add3A_99 : i32 to index
        %swap3A_103 = tpu.vector_load %arg7[%swap3A] {strides = array<i32>} : memref<512xi32, #tpu.memory_space<vmem>>, vector<16xi32>,
        tpu.vector_store %arg7[%swap3A], %get3A_100 {strides = array<i32>} : memref<512xi32, #tpu.memory_space<vmem>>, vector<16xi32>,
      }
      %scan3A_80 = arith.constant 32 : i32
      %mul3A_81 = arith.constant 512 : i32
      %mul3A_82 = arith.muli %add3A_68, %mul3A_81 : i32
      %add3A_83 = arith.addi %mul3A_2, %mul3A_82 : i32
      %dma_start3A_84 = arith.constant 0 : i32
      %dma_start3A_85 = tpu.memref_slice %arg3[%dma_start3A_84, %add3A_83] : memref<64x2097152xf32, #tpu.memory_space<hbm>> -> memref<64x512xf32, #tpu.memory_space<hbm>>
      %dma_start3A_86 = arith.constant 0 : i32
      %dma_start3A_87 = tpu.memref_slice %arg3[%dma_start3A_86, %add3A_83] : memref<64x2097152xf32, #tpu.memory_space<hbm>> -> memref<64x512xf32, #tpu.memory_space<hbm>>
      tpu.enqueue_dma source(%arg9 : memref<64x512xf32, #tpu.memory_space<vmem>>) target(%dma_start3A_87 : memref<64x512xf32, #tpu.memory_space<hbm>>) target_semaphore(%arg11 : memref<!tpu.dma_semaphore, #tpu.memory_space<semaphore_mem>>)
      %add3A_88 = arith.constant 2 : i32
      %add3A_89 = arith.addi %add3A_68, %add3A_88 : i32
      %lt3A_90 = arith.constant 128 : i32
      %lt3A_91 = arith.cmpi slt, %add3A_89, %lt3A_90 : i32
      %convert_element_type3A_92 = arith.extui %lt3A_91 : i1 to i32
      %cond3A_93 = arith.constant 0 : i32
      %cond3A_94 = arith.cmpi ne, %convert_element_type3A_92, %cond3A_93 : i32
      scf.if %cond3A_94 {
        %add3A_95 = arith.constant 2 : i32
        %add3A_96 = arith.addi %add3A_68, %add3A_95 : i32
        %mul3A_97 = arith.constant 512 : i32
        %mul3A_98 = arith.muli %add3A_96, %mul3A_97 : i32
        %add3A_99 = arith.addi %mul3A_2, %mul3A_98 : i32
        %dma_start3A_100 = tpu.memref_slice %arg2[%add3A_99] : memref<2097152xi32, #tpu.memory_space<hbm>> -> memref<512xi32, #tpu.memory_space<hbm>>
        %dma_start3A_101 = tpu.memref_slice %arg2[%add3A_99] : memref<2097152xi32, #tpu.memory_space<hbm>> -> memref<512xi32, #tpu.memory_space<hbm>>
        tpu.enqueue_dma source(%dma_start3A_101 : memref<512xi32, #tpu.memory_space<hbm>>) target(%arg5 : memref<512xi32, #tpu.memory_space<vmem>>) target_semaphore(%arg10 : memref<!tpu.dma_semaphore, #tpu.memory_space<semaphore_mem>>)
      } else {
      }
    }
    %scan3A_26 = arith.constant 64 : i32
    %dma_wait3A = arith.constant 0 : i32
    %dma_wait3A_27 = arith.constant 0 : i32
    %dma_wait3A_28 = tpu.memref_slice %arg3[%dma_wait3A, %dma_wait3A_27] : memref<64x2097152xf32, #tpu.memory_space<hbm>> -> memref<64x512xf32, #tpu.memory_space<hbm>>
    %dma_wait3A_29 = arith.constant 0 : i32
    %dma_wait3A_30 = arith.constant 0 : i32
    %dma_wait3A_31 = tpu.memref_slice %arg3[%dma_wait3A_29, %dma_wait3A_30] : memref<64x2097152xf32, #tpu.memory_space<hbm>> -> memref<64x512xf32, #tpu.memory_space<hbm>>
    tpu.wait_dma2 semaphore(%arg11 : memref<!tpu.dma_semaphore, #tpu.memory_space<semaphore_mem>>) src(%arg8 : memref<64x512xf32, #tpu.memory_space<vmem>>) dst(%dma_wait3A_31 : memref<64x512xf32, #tpu.memory_space<hbm>>)
    %dma_wait3A_32 = arith.constant 0 : i32
    %dma_wait3A_33 = arith.constant 0 : i32
    %dma_wait3A_34 = tpu.memref_slice %arg3[%dma_wait3A_32, %dma_wait3A_33] : memref<64x2097152xf32, #tpu.memory_space<hbm>> -> memref<64x512xf32, #tpu.memory_space<hbm>>
    %dma_wait3A_35 = arith.constant 0 : i32
    %dma_wait3A_36 = arith.constant 0 : i32
    %dma_wait3A_37 = tpu.memref_slice %arg3[%dma_wait3A_35, %dma_wait3A_36] : memref<64x2097152xf32, #tpu.memory_space<hbm>> -> memref<64x512xf32, #tpu.memory_space<hbm>>
    tpu.wait_dma2 semaphore(%arg11 : memref<!tpu.dma_semaphore, #tpu.memory_space<semaphore_mem>>) src(%arg9 : memref<64x512xf32, #tpu.memory_space<vmem>>) dst(%dma_wait3A_37 : memref<64x512xf32, #tpu.memory_space<hbm>>)
    return
  }
}

</mosaic_0001>

<sc_bundles>
// kernel: kernel.3.cloned.1.call-start
scs
__scs_entry_jumppad:
0x0: {  	(pc) =	sbr.rel $0x88, $3  }
0x1: {  	(tag) =	ssettag $0x0;
	lr =	simm.s32 $0x1  }
0x2: {  	[smem:$0x3FA0] =	sst lr;
	_ =	strace $0xD0000000  }
0x3: {  	_ = 	snop  }
0x4: {  	_ = 	snop  }
0x5: {  	_ = 	snop  }
0x6: {  	_ = 	snop  }
0x7: {  	_ = 	snop  }
__scs_overlays_trampoline_lowered:
0x8: {  	[smem:$0x3FAF] =	sst s0  }
0x9: {  	[smem:$0x3FB0] =	sst s1  }
0xa: {  	[smem:$0x3FB1] =	sst s2  }
0xb: {  	[smem:$0x3FB2] =	sst s3  }
0xc: {  	[smem:$0x3FB3] =	sst s4  }
0xd: {  	[smem:$0x3FB4] =	sst s5  }
0xe: {  	[smem:$0x3FB5] =	sst s6  }
0xf: {  	[smem:$0x3FB6] =	sst s7  }
0x10: {  	[smem:$0x3FB7] =	sst s8  }
0x11: {  	[smem:$0x3FB8] =	sst s9;
	s0 =	simm.s32 @!p0 $0x0  }
0x12: {  	s1 =	sld [smem:$0x3F9E];
	s0 =	simm.s32 @p0 $0x1  }
0x13: {  	[smem:$0x3FB9] =	sst s0;
	s0 =	simm.s32 @!p1 $0x0  }
0x14: {  	s2 =	sld [smem:$0x3F9D];
	s0 =	simm.s32 @p1 $0x1  }
0x15: {  	[smem:$0x3FBA] =	sst s0;
	s0 =	simm.s32 @!p2 $0x0  }
0x16: {  	s3 =	sld [smem:$0x3FDB];
	s0 =	simm.s32 @p2 $0x1  }
0x17: {  	s4 =	simm.s32 $0x1BF5;
	[smem:$0x3FBC] =	sst s0  }
0x18: {  	s0 =	sld [smem:$0x3F9F];
	_ =	swait.ge [sflag:s4], $0x0  }
0x19: {  	s7 =	sld [smem:$0x3FA0]  }
0x1a: {  	s8 =	sadd.s32 $0xFFFFE003, lr  }
0x1b: {  	s9 =	sadd.s32 $0xFFFFFEF7, lr;
	s5 =	simm.s32 $0xFFFFFFFF;
	p2 =	slt.u32 s8, $0xFFFFF086  }
0x1c: {  	p1 =	slt.u32 s9, $0xF7A;
	s5 =	simm.s32 @!p2 $0x0  }
0x1d: {  	s5 =	simm.s32 @p1 $0x1;
	p0 =	seq.s32 s7, s2  }
0x1e: {  	s7 =	smul.u32 @!p0 $0xF7A, s2;
	p2 =	seq.s32 @!p0 s5, $0x0  }
0x1f: {  	s9 =	smul.u32 $0xF7A, s1;
	s8 =	simm.s32 @!p0 $0x1BF5;
	p2 =	por !p2, p0  }
0x20: {  	[sflag:s8] =	ssyncset.s32 @!p0 $0xFFFFF086;
	s6 =	sadd.s32 @!p0 s3, s7;
	s7 =	simm.s32 @!p0 $0x108  }
0x21: {  	s3 =	sadd.s32 s3, s9;
	s6 =	sadd.s32 @!p0 $0x88, s6;
	s7 =	simm.s32 @p2 $0x1082  }
0x22: {  	[simem:s7], [sflag:s8] =	dma.local @!p0 [hbm:s6], $0xF7A  }
0x23: {  	s9 =	sor.u32 $0xD0000000, s2;
	s6 =	simm.s32 $0x108;
	_ =	swait.ge @!p0 [sflag:s8], $0x0  }
0x24: {  	s3 =	sadd.s32 $0x88, s3;
	s6 =	simm.s32 @!p1 $0x1082;
	[sflag:s4] =	ssyncset.s32 $0xFFFFF086  }
0x25: {  	[simem:s6], [sflag:s4] =	dma.local [hbm:s3], $0xF7A  }
0x26: {  	[smem:$0x3FA0] =	sst s1;
	(tag) =	ssettag s2;
	_ =	strace s9  }
0x27: {  	s1 =	sld [smem:$0x3FB0]  }
0x28: {  	s2 =	sld [smem:$0x3FB1]  }
0x29: {  	s4 =	sld [smem:$0x3FB3]  }
0x2a: {  	p0 =	seq.s32 s5, $0x0;
	s5 =	sld [smem:$0x3FB4]  }
0x2b: {  	s6 =	sld [smem:$0x3FB5]  }
0x2c: {  	s7 =	sld [smem:$0x3FB6]  }
0x2d: {  	s3 =	simm.s32 $0x108;
	s8 =	sld [smem:$0x3FB7]  }
0x2e: {  	s3 =	simm.s32 @!p0 $0x1082;
	s9 =	sld [smem:$0x3FB8]  }
0x2f: {  	lr =	sadd.s32 s0, s3;
	s0 =	sld [smem:$0x3FAF]  }
0x30: {  	s3 =	sld [smem:$0x3FB2]  }
0x31: {  	[smem:$0x3FBB] =	sst s10  }
0x32: {  	s10 =	sld [smem:$0x3FB9];
	_ =	sdelay $0x3  }
0x33: {  	p0 =	seq.s32 s10, $0x1;
	s10 =	sld [smem:$0x3FBB];
	_ =	sdelay $0x3  }
0x34: {  	[smem:$0x3FBB] =	sst s10  }
0x35: {  	s10 =	sld [smem:$0x3FBA];
	_ =	sdelay $0x3  }
0x36: {  	p1 =	seq.s32 s10, $0x1;
	s10 =	sld [smem:$0x3FBB];
	_ =	sdelay $0x3  }
0x37: {  	[smem:$0x3FBB] =	sst s10  }
0x38: {  	s10 =	sld [smem:$0x3FBC]  }
0x39: {  	_ = 	snop;
	(pc) =	sbr.ind lr, $3  }
0x3a: {  	_ = 	snop  }
0x3b: {  	_ = 	snop  }
0x3c: {  	p2 =	seq.s32 s10, $0x1;
	s10 =	sld [smem:$0x3FBB]  }
0x3d: {  	_ =	shalt  }
0x3e: {  	_ =	shalt  }
0x3f: {  	_ =	shalt  }
0x40: {  	_ =	shalt  }
0x41: {  	_ =	shalt  }
0x42: {  	_ =	shalt  }
0x43: {  	_ =	shalt  }
0x44: {  	_ =	shalt  }
0x45: {  	_ =	shalt  }
0x46: {  	_ =	shalt  }
0x47: {  	_ =	shalt  }
0x48: {  	_ =	shalt  }
0x49: {  	_ =	shalt  }
0x4a: {  	_ =	shalt  }
0x4b: {  	_ =	shalt  }
0x4c: {  	_ =	shalt  }
0x4d: {  	_ =	shalt  }
0x4e: {  	_ =	shalt  }
0x4f: {  	_ =	shalt  }
0x50: {  	_ =	shalt  }
0x51: {  	_ =	shalt  }
0x52: {  	_ =	shalt  }
0x53: {  	_ =	shalt  }
0x54: {  	_ =	shalt  }
0x55: {  	_ =	shalt  }
0x56: {  	_ =	shalt  }
0x57: {  	_ =	shalt  }
0x58: {  	_ =	shalt  }
0x59: {  	_ =	shalt  }
0x5a: {  	_ =	shalt  }
0x5b: {  	_ =	shalt  }
0x5c: {  	_ =	shalt  }
0x5d: {  	_ =	shalt  }
0x5e: {  	_ =	shalt  }
0x5f: {  	_ =	shalt  }
0x60: {  	_ =	shalt  }
0x61: {  	_ =	shalt  }
0x62: {  	_ =	shalt  }
0x63: {  	_ =	shalt  }
0x64: {  	_ =	shalt  }
0x65: {  	_ =	shalt  }
0x66: {  	_ =	shalt  }
0x67: {  	_ =	shalt  }
0x68: {  	_ =	shalt  }
0x69: {  	_ =	shalt  }
0x6a: {  	_ =	shalt  }
0x6b: {  	_ =	shalt  }
0x6c: {  	_ =	shalt  }
0x6d: {  	_ =	shalt  }
0x6e: {  	_ =	shalt  }
0x6f: {  	_ =	shalt  }
0x70: {  	_ =	shalt  }
0x71: {  	_ =	shalt  }
0x72: {  	_ =	shalt  }
0x73: {  	_ =	shalt  }
0x74: {  	_ =	shalt  }
0x75: {  	_ =	shalt  }
0x76: {  	_ =	shalt  }
0x77: {  	_ =	shalt  }
0x78: {  	_ =	shalt  }
0x79: {  	_ =	shalt  }
0x7a: {  	_ =	shalt  }
0x7b: {  	_ =	shalt  }
0x7c: {  	_ =	shalt  }
0x7d: {  	_ =	shalt  }
0x7e: {  	_ =	shalt  }
0x7f: {  	_ =	shalt  }
0x80: {  	_ =	shalt  }
0x81: {  	_ =	shalt  }
0x82: {  	_ =	shalt  }
0x83: {  	_ =	shalt  }
0x84: {  	_ =	shalt  }
0x85: {  	_ =	shalt  }
0x86: {  	_ =	shalt  }
0x87: {  	_ =	shalt  }
.Lfunc_end0:
.L_simem_size_0:
called_computation_lowered:
.L_overlay_start_0:
0x88: {  	s2 =	sld [smem:$0x3FD9]  }
0x89: {  	s3 =	sld [smem:$0x3FFE];
	_ =	sdelay $0x1  }
0x8a: {  	s1 =	srdreg.scid  }
0x8b: {  	s0 =	sand.u32 $0x1, s1  }
0x8c: {  	s18 =	sshll.u32 s0, $0xA;
	s2 =	sadd.s32 s3, s2  }
0x8d: {  	s2 =	sadd.s32 s2, s18  }
0x8e: {  	[smem:$0x3FC7] =	sst s2  }
0x8f: {  	_ = 	snop  }
0x90: {  	s2 =	sld [smem:$0x3FC9]  }
0x91: {  	s19 =	sld [smem:$0x3FD0];
	(tm) =	ssettm $0x1  }
0x92: {  	s4 =	sld [smem:$0x3FFB];
	_ =	sdelay $0x3  }
0x93: {  	_ =	strace s4  }
0x94: {  	s4 =	sld [smem:$0x3FFC];
	_ =	sdelay $0x3  }
0x95: {  	_ =	strace s4  }
0x96: {  	s4 =	sld [smem:$0x3FFD];
	_ =	sdelay $0x3  }
0x97: {  	_ =	strace s4  }
0x98: {  	_ =	strace $0x8FFFFFFF  }
0x99: {  	s20 =	sld [smem:$0x3FDB];
	_ =	sdelay $0x1  }
0x9a: {  	s5 =	simm.s32 $_scs_section_size  }
0x9b: {  	s6 =	simm.s32 $_size__tile_overlayer_lowered;
	s7 =	simm.s32 $_tile_overlayer_lowered  }
0x9c: {  	s23 =	simm.s32 $0x1BFF;
	s22 =	sshll.u32 s7, $0x1;
	s4 =	sadd.s32 s5, s20  }
0x9d: {  	s8 =	simm.s32 $0x0;
	s21 =	sshll.u32 s6, $0x1;
	s6 =	sadd.s32 s22, s4  }
0x9e: {  	[timem:s8], [sflag:s23] =	dma.local [hbm:s6], s21  }
0x9f: {  	_ =	swait.ge [sflag:s23], s21  }
0xa0: {  	s5 =	ssub.s32 $0x0, s21;
	[sflag:s23] =	ssyncset.done $0x0  }
0xa1: {  	[sflag:s23] =	ssyncadd.s32 s5;
	_ =	sdelay $0x1  }
0xa2: {  	s24 =	simm.s32 $0x1B8B  }
0xa3: {  	_ =	swait.ge [sflag:s24], $0x1  }
0xa4: {  	[sflag:s24] =	ssyncset.done $0x0  }
0xa5: {  	s25 =	simm.s32 $0x1B8E;
	[sflag:s24] =	ssyncadd.s32 $0xFFFFFFFF  }
0xa6: {  	s26 =	simm.s32 $execute0_lowered;
	[smem:$0x3FD2] =	sst s25  }
0xa7: {  	s5 =	sshll.u32 s26, $0x1;
	_ =	strace $0x80000046;
	[dreg:$0x1] =	wrdreg $0xFFFFFFFF  }
0xa8: {  	s28 =	simm.s32 $_size_execute0_lowered;
	s4 =	sadd.s32 s4, s5;
	[dreg:$0x0] =	wrdreg $0x0  }
0xa9: {  	s5 =	sshll.u32 s28, $0x1;
	[dreg:$0x2] =	wrdreg s4  }
0xaa: {  	[dreg:$0x3] =	wrdreg s5  }
0xab: {  	[dreg:$0x4] =	wrdreg $0xC0  }
0xac: {  	_ =	task [dreg:s8], $0x5FFFF  }
0xad: {  	[dreg:$0x1] =	wrdreg $0xFFFFFFFF  }
0xae: {  	[dreg:$0x0] =	wrdreg $0x60  }
0xaf: {  	[dreg:$0x2] =	wrdreg s2  }
0xb0: {  	[dreg:$0x3] =	wrdreg s19  }
0xb1: {  	[dreg:$0x4] =	wrdreg $0x9  }
0xb2: {  	_ =	task.clear_ibuf [dreg:s8], $0x5FFFF;
	_ =	strace $0x90000046  }
0xb3: {  	s29 =	simm.s32 $0x9;
	_ =	strace $0x80000048  }
0xb4: {  	_ =	swait.ge [sflag:s29], $0x1  }
0xb5: {  	[sflag:s29] =	ssyncadd.s32 $0xFFFFFFFF  }
0xb6: {  	_ =	strace $0x90000048  }
0xb7: {  	_ =	sfence  }
0xb8: {  	s30 =	sld [smem:$0x0];
	_ =	sdelay $0x2  }
0xb9: {  	s31 =	sshll.u32 s1, $0xD;
	s1 =	sshrl.u32 s1, $0x2  }
0xba: {  	s3 =	sand.u32 $0x4000, s31;
	s1 =	sadd.s32 s1, s30  }
0xbb: {  	s0 =	sor.u32 s3, s0;
	s1 =	sshll.u32 s1, $0x11  }
0xbc: {  	s0 =	sor.u32 s1, s0  }
0xbd: {  	s0 =	sadd.s32 $0x8F2B, s0  }
0xbe: {  	[sflag:s0] =	ssyncadd.remote.s32 $0x1  }
0xbf: {  	_ =	sfence.sel $0xFFFF  }
0xc0: {  	[dreg:$0x0] =	wrdreg $0xFFFFFFFF;
	(pc) =	sbr.abs _section_cstart, $3  }
0xc1: {  	[dreg:$0x1] =	wrdreg $0xFFFFFFFF  }
0xc2: {  	_ =	task.clear_ibuf [dreg:s8], $0x2FFFF;
	_ =	strace $0x9FFFFFFF  }
0xc3: {  	(tm) =	ssettm $0x7FFFFFFF  }
tec
execute0_lowered:
.L_overlay_start_1:
0x0: {  	(tag) =	ssettag $0x1  }
0x1: {  	s1 =	srdreg.scid;
	s2 =	rddreg [dreg:$0x0]  }
0x2: {  	s0 =	stileid.u32;
	s6 =	rddreg [dreg:$0x1]  }
0x3: {  	s10 =	simm.s32 $0x200;
	s11 =	simm.s32 $0x1;
	s12 =	simm.s32 $0x800  }
0x4: {  	s13 =	simm.s32 $0x1000;
	s14 =	simm.s32 $0x1000000;
	s15 =	simm.s32 $0x8800  }
0x5: {  	s16 =	simm.s32 $0x2;
	s17 =	simm.s32 $0x0;
	s4 =	sand.u32 $0x1, s1  }
0x6: {  	s5 =	sshll.u32 s0, $0x10;
	s1 =	rddreg [dreg:$0x2];
	s3 =	sshll.u32 s4, $0x14  }
.Ltmp0:
0x7: {  	s30 =	ssub.s32 $0x2, s4;
	s8 =	sor.u32 s5, s3;
	(pc) =	sbr.rel .LBB2_1-.Ltmp0, $4  }
0x8: {  	s3 =	simm.s32 $0x0;
	s7 =	sshrl.u32 s30, $0x1;
	s31 =	sshrl.u32 s8, $0x3  }
0x9: {  	[smem:$0x7FF] =	sst s3;
	s9 =	ssub.s32 s30, s7;
	s6 =	sadd.s32 s6, s8  }
0xa: {  	s7 =	sor.u32 $0x400, s8;
	s8 =	sor.u32 $0x600, s8;
	s4 =	sadd.s32 s2, s31  }
0xb: {  	v0 =	vimm.f32 $0.0e+00;
	v1 =	vlaneseq.u32;
	v2 =	vimm.f32 $1.000000000e+00;
	_ =	strace $0x80000047;
	s9 =	smax.u32 s9, $0x1;
	s5 =	sadd.s32 $0x40, s4  }
.LBB2_20:
0xc: {  	s17 =	sadd.s32 $0x1, s17  }
0xd: {  	_ =	swait.ge [sflag:s16], $0x8000;
	p0 =	sne.s32 s17, s9  }
.Ltmp1:
0xe: {  	[sflag:s16] =	ssyncset.done $0x0;
	(pc) =	sbr.rel @!p0 .LBB2_21-.Ltmp1, $4  }
0xf: {  	[sflag:s16] =	ssyncadd.s32 $0xFFFF8000  }
0x10: {  	_ =	swait.ge [sflag:s16], $0x8000  }
0x11: {  	[sflag:s16] =	ssyncset.done $0x0  }
0x12: {  	[sflag:s16] =	ssyncadd.s32 $0xFFFF8000  }
.LBB2_1:
0x13: {  	s18 =	sand.u32 $0x7000, s3;
	s19 =	sand.u32 $0x380, s3  }
0x14: {  	s18 =	sor.u32 s19, s18  }
0x15: {  	[tilespmem:s18+$0x1470] =	vst v0  }
0x16: {  	[tilespmem:s18+$0x800] =	vst v0  }
0x17: {  	[tilespmem:s18+$0x810] =	vst v0  }
0x18: {  	[tilespmem:s18+$0x820] =	vst v0  }
0x19: {  	[tilespmem:s18+$0x830] =	vst v0  }
0x1a: {  	[tilespmem:s18+$0x840] =	vst v0  }
0x1b: {  	[tilespmem:s18+$0x850] =	vst v0  }
0x1c: {  	[tilespmem:s18+$0x860] =	vst v0  }
0x1d: {  	[tilespmem:s18+$0x870] =	vst v0  }
0x1e: {  	[tilespmem:s18+$0xC00] =	vst v0  }
0x1f: {  	[tilespmem:s18+$0xC10] =	vst v0  }
0x20: {  	[tilespmem:s18+$0xC20] =	vst v0  }
0x21: {  	[tilespmem:s18+$0xC30] =	vst v0  }
0x22: {  	[tilespmem:s18+$0xC40] =	vst v0  }
0x23: {  	[tilespmem:s18+$0xC50] =	vst v0  }
0x24: {  	[tilespmem:s18+$0xC60] =	vst v0  }
0x25: {  	[tilespmem:s18+$0xC70] =	vst v0  }
0x26: {  	[tilespmem:s18+$0x1000] =	vst v0  }
0x27: {  	[tilespmem:s18+$0x1010] =	vst v0  }
0x28: {  	[tilespmem:s18+$0x1020] =	vst v0  }
0x29: {  	[tilespmem:s18+$0x1030] =	vst v0  }
0x2a: {  	[tilespmem:s18+$0x1040] =	vst v0  }
0x2b: {  	[tilespmem:s18+$0x1050] =	vst v0  }
0x2c: {  	[tilespmem:s18+$0x1060] =	vst v0  }
0x2d: {  	[tilespmem:s18+$0x1070] =	vst v0  }
0x2e: {  	[tilespmem:s18+$0x1400] =	vst v0  }
0x2f: {  	[tilespmem:s18+$0x1410] =	vst v0  }
0x30: {  	[tilespmem:s18+$0x1420] =	vst v0  }
0x31: {  	[tilespmem:s18+$0x1430] =	vst v0  }
0x32: {  	s20 =	simm.s32 $0x200;
	s19 =	simm.s32 $0x80;
	[tilespmem:s18+$0x1440] =	vst v0  }
0x33: {  	s21 =	sand.u32 $0x7000, s20;
	s20 =	simm.s32 $0x400;
	s22 =	sand.u32 $0x380, s19;
	[tilespmem:s18+$0x1450] =	vst v0  }
.LBB2_2:
0x34: {  	p0 =	sne.s32 s20, $0x7E00;
	[tilespmem:s18+$0x1460] =	vst v0;
	s18 =	sor.u32 s22, s21  }
0x35: {  	[tilespmem:s18+$0x1470] =	vst v0  }
0x36: {  	[tilespmem:s18+$0x800] =	vst v0  }
0x37: {  	[tilespmem:s18+$0x810] =	vst v0  }
0x38: {  	[tilespmem:s18+$0x820] =	vst v0  }
0x39: {  	[tilespmem:s18+$0x830] =	vst v0  }
0x3a: {  	[tilespmem:s18+$0x840] =	vst v0  }
0x3b: {  	[tilespmem:s18+$0x850] =	vst v0  }
0x3c: {  	[tilespmem:s18+$0x860] =	vst v0  }
0x3d: {  	[tilespmem:s18+$0x870] =	vst v0  }
0x3e: {  	[tilespmem:s18+$0xC00] =	vst v0  }
0x3f: {  	[tilespmem:s18+$0xC10] =	vst v0  }
0x40: {  	[tilespmem:s18+$0xC20] =	vst v0  }
0x41: {  	[tilespmem:s18+$0xC30] =	vst v0  }
0x42: {  	[tilespmem:s18+$0xC40] =	vst v0  }
0x43: {  	[tilespmem:s18+$0xC50] =	vst v0  }
0x44: {  	[tilespmem:s18+$0xC60] =	vst v0  }
0x45: {  	[tilespmem:s18+$0xC70] =	vst v0  }
0x46: {  	[tilespmem:s18+$0x1000] =	vst v0  }
0x47: {  	[tilespmem:s18+$0x1010] =	vst v0  }
0x48: {  	[tilespmem:s18+$0x1020] =	vst v0  }
0x49: {  	[tilespmem:s18+$0x1030] =	vst v0  }
0x4a: {  	[tilespmem:s18+$0x1040] =	vst v0  }
0x4b: {  	[tilespmem:s18+$0x1050] =	vst v0  }
0x4c: {  	[tilespmem:s18+$0x1060] =	vst v0  }
0x4d: {  	[tilespmem:s18+$0x1070] =	vst v0  }
0x4e: {  	[tilespmem:s18+$0x1400] =	vst v0  }
.Ltmp2:
0x4f: {  	[tilespmem:s18+$0x1410] =	vst v0;
	(pc) =	sbr.rel @p0 .LBB2_2-.Ltmp2, $4  }
0x50: {  	[tilespmem:s18+$0x1420] =	vst v0  }
0x51: {  	[tilespmem:s18+$0x1430] =	vst v0  }
0x52: {  	s19 =	sadd.s32 $0x80, s19;
	[tilespmem:s18+$0x1440] =	vst v0  }
0x53: {  	s21 =	sand.u32 $0x7000, s20;
	s20 =	sadd.s32 $0x200, s20;
	s22 =	sand.u32 $0x380, s19;
	[tilespmem:s18+$0x1450] =	vst v0  }
0x54: {  	s19 =	sor.u32 s22, s21;
	[tilespmem:s18+$0x1460] =	vst v0  }
0x55: {  	[tilespmem:s19+$0x1470] =	vst v0  }
0x56: {  	[tilespmem:s19+$0x800] =	vst v0  }
0x57: {  	[tilespmem:s19+$0x810] =	vst v0  }
0x58: {  	[tilespmem:s19+$0x820] =	vst v0  }
0x59: {  	[tilespmem:s19+$0x830] =	vst v0  }
0x5a: {  	[tilespmem:s19+$0x840] =	vst v0  }
0x5b: {  	[tilespmem:s19+$0x850] =	vst v0  }
0x5c: {  	[tilespmem:s19+$0x860] =	vst v0  }
0x5d: {  	[tilespmem:s19+$0x870] =	vst v0  }
0x5e: {  	[tilespmem:s19+$0xC00] =	vst v0  }
0x5f: {  	[tilespmem:s19+$0xC10] =	vst v0  }
0x60: {  	[tilespmem:s19+$0xC20] =	vst v0  }
0x61: {  	[tilespmem:s19+$0xC30] =	vst v0  }
0x62: {  	[tilespmem:s19+$0xC40] =	vst v0  }
0x63: {  	[tilespmem:s19+$0xC50] =	vst v0  }
0x64: {  	[tilespmem:s19+$0xC60] =	vst v0  }
0x65: {  	[tilespmem:s19+$0xC70] =	vst v0  }
0x66: {  	[tilespmem:s19+$0x1000] =	vst v0  }
0x67: {  	[tilespmem:s19+$0x1010] =	vst v0  }
0x68: {  	[tilespmem:s19+$0x1020] =	vst v0  }
0x69: {  	[tilespmem:s19+$0x1030] =	vst v0  }
0x6a: {  	[tilespmem:s19+$0x1040] =	vst v0  }
0x6b: {  	[tilespmem:s19+$0x1050] =	vst v0  }
0x6c: {  	[tilespmem:s19+$0x1060] =	vst v0  }
0x6d: {  	[tilespmem:s19+$0x1070] =	vst v0  }
0x6e: {  	[tilespmem:s19+$0x1400] =	vst v0  }
0x6f: {  	[tilespmem:s19+$0x1410] =	vst v0  }
0x70: {  	[tilespmem:s19+$0x1420] =	vst v0  }
0x71: {  	[tilespmem:s19+$0x1430] =	vst v0  }
0x72: {  	s30 =	simm.s32 $0x0;
	[tilespmem:s19+$0x1440] =	vst v0  }
0x73: {  	[tilespmem:s19+$0x1450] =	vst v0;
	s20 =	sand.u32 $0x7000, s30;
	s18 =	sand.u32 $0x380, s30  }
0x74: {  	[tilespmem:s19+$0x1460] =	vst v0;
	s18 =	sor.u32 s18, s20  }
0x75: {  	[tilespmem:s18+$0x9470] =	vst v0  }
0x76: {  	[tilespmem:s18+$0x8800] =	vst v0  }
0x77: {  	[tilespmem:s18+$0x8810] =	vst v0  }
0x78: {  	[tilespmem:s18+$0x8820] =	vst v0  }
0x79: {  	[tilespmem:s18+$0x8830] =	vst v0  }
0x7a: {  	[tilespmem:s18+$0x8840] =	vst v0  }
0x7b: {  	[tilespmem:s18+$0x8850] =	vst v0  }
0x7c: {  	[tilespmem:s18+$0x8860] =	vst v0  }
0x7d: {  	[tilespmem:s18+$0x8870] =	vst v0  }
0x7e: {  	[tilespmem:s18+$0x8C00] =	vst v0  }
0x7f: {  	[tilespmem:s18+$0x8C10] =	vst v0  }
0x80: {  	[tilespmem:s18+$0x8C20] =	vst v0  }
0x81: {  	[tilespmem:s18+$0x8C30] =	vst v0  }
0x82: {  	[tilespmem:s18+$0x8C40] =	vst v0  }
0x83: {  	[tilespmem:s18+$0x8C50] =	vst v0  }
0x84: {  	[tilespmem:s18+$0x8C60] =	vst v0  }
0x85: {  	[tilespmem:s18+$0x8C70] =	vst v0  }
0x86: {  	[tilespmem:s18+$0x9000] =	vst v0  }
0x87: {  	[tilespmem:s18+$0x9010] =	vst v0  }
0x88: {  	[tilespmem:s18+$0x9020] =	vst v0  }
0x89: {  	[tilespmem:s18+$0x9030] =	vst v0  }
0x8a: {  	[tilespmem:s18+$0x9040] =	vst v0  }
0x8b: {  	[tilespmem:s18+$0x9050] =	vst v0  }
0x8c: {  	[tilespmem:s18+$0x9060] =	vst v0  }
0x8d: {  	[tilespmem:s18+$0x9070] =	vst v0  }
0x8e: {  	[tilespmem:s18+$0x9400] =	vst v0  }
0x8f: {  	[tilespmem:s18+$0x9410] =	vst v0  }
0x90: {  	[tilespmem:s18+$0x9420] =	vst v0  }
0x91: {  	[tilespmem:s18+$0x9430] =	vst v0  }
0x92: {  	s31 =	simm.s32 $0x200;
	s19 =	simm.s32 $0x80;
	[tilespmem:s18+$0x9440] =	vst v0  }
0x93: {  	s21 =	sand.u32 $0x7000, s31;
	s22 =	sand.u32 $0x380, s19;
	s20 =	simm.s32 $0x400;
	[tilespmem:s18+$0x9450] =	vst v0  }
.LBB2_4:
0x94: {  	p0 =	sne.s32 s20, $0x7E00;
	[tilespmem:s18+$0x9460] =	vst v0;
	s18 =	sor.u32 s22, s21  }
0x95: {  	[tilespmem:s18+$0x9470] =	vst v0  }
0x96: {  	[tilespmem:s18+$0x8800] =	vst v0  }
0x97: {  	[tilespmem:s18+$0x8810] =	vst v0  }
0x98: {  	[tilespmem:s18+$0x8820] =	vst v0  }
0x99: {  	[tilespmem:s18+$0x8830] =	vst v0  }
0x9a: {  	[tilespmem:s18+$0x8840] =	vst v0  }
0x9b: {  	[tilespmem:s18+$0x8850] =	vst v0  }
0x9c: {  	[tilespmem:s18+$0x8860] =	vst v0  }
0x9d: {  	[tilespmem:s18+$0x8870] =	vst v0  }
0x9e: {  	[tilespmem:s18+$0x8C00] =	vst v0  }
0x9f: {  	[tilespmem:s18+$0x8C10] =	vst v0  }
0xa0: {  	[tilespmem:s18+$0x8C20] =	vst v0  }
0xa1: {  	[tilespmem:s18+$0x8C30] =	vst v0  }
0xa2: {  	[tilespmem:s18+$0x8C40] =	vst v0  }
0xa3: {  	[tilespmem:s18+$0x8C50] =	vst v0  }
0xa4: {  	[tilespmem:s18+$0x8C60] =	vst v0  }
0xa5: {  	[tilespmem:s18+$0x8C70] =	vst v0  }
0xa6: {  	[tilespmem:s18+$0x9000] =	vst v0  }
0xa7: {  	[tilespmem:s18+$0x9010] =	vst v0  }
0xa8: {  	[tilespmem:s18+$0x9020] =	vst v0  }
0xa9: {  	[tilespmem:s18+$0x9030] =	vst v0  }
0xaa: {  	[tilespmem:s18+$0x9040] =	vst v0  }
0xab: {  	[tilespmem:s18+$0x9050] =	vst v0  }
0xac: {  	[tilespmem:s18+$0x9060] =	vst v0  }
0xad: {  	[tilespmem:s18+$0x9070] =	vst v0  }
0xae: {  	[tilespmem:s18+$0x9400] =	vst v0  }
.Ltmp3:
0xaf: {  	[tilespmem:s18+$0x9410] =	vst v0;
	(pc) =	sbr.rel @p0 .LBB2_4-.Ltmp3, $4  }
0xb0: {  	[tilespmem:s18+$0x9420] =	vst v0  }
0xb1: {  	[tilespmem:s18+$0x9430] =	vst v0  }
0xb2: {  	s19 =	sadd.s32 $0x80, s19;
	[tilespmem:s18+$0x9440] =	vst v0  }
0xb3: {  	s21 =	sand.u32 $0x7000, s20;
	s20 =	sadd.s32 $0x200, s20;
	s22 =	sand.u32 $0x380, s19;
	[tilespmem:s18+$0x9450] =	vst v0  }
0xb4: {  	s19 =	sor.u32 s22, s21;
	[tilespmem:s18+$0x9460] =	vst v0  }
0xb5: {  	[tilespmem:s19+$0x9470] =	vst v0  }
0xb6: {  	[tilespmem:s19+$0x8800] =	vst v0  }
0xb7: {  	[tilespmem:s19+$0x8810] =	vst v0  }
0xb8: {  	[tilespmem:s19+$0x8820] =	vst v0  }
0xb9: {  	[tilespmem:s19+$0x8830] =	vst v0  }
0xba: {  	[tilespmem:s19+$0x8840] =	vst v0  }
0xbb: {  	[tilespmem:s19+$0x8850] =	vst v0  }
0xbc: {  	[tilespmem:s19+$0x8860] =	vst v0  }
0xbd: {  	[tilespmem:s19+$0x8870] =	vst v0  }
0xbe: {  	[tilespmem:s19+$0x8C00] =	vst v0  }
0xbf: {  	[tilespmem:s19+$0x8C10] =	vst v0  }
0xc0: {  	[tilespmem:s19+$0x8C20] =	vst v0  }
0xc1: {  	[tilespmem:s19+$0x8C30] =	vst v0  }
0xc2: {  	[tilespmem:s19+$0x8C40] =	vst v0  }
0xc3: {  	[tilespmem:s19+$0x8C50] =	vst v0  }
0xc4: {  	[tilespmem:s19+$0x8C60] =	vst v0  }
0xc5: {  	[tilespmem:s19+$0x8C70] =	vst v0  }
0xc6: {  	[tilespmem:s19+$0x9000] =	vst v0  }
0xc7: {  	[tilespmem:s19+$0x9010] =	vst v0  }
0xc8: {  	[tilespmem:s19+$0x9020] =	vst v0  }
0xc9: {  	[tilespmem:s19+$0x9030] =	vst v0  }
0xca: {  	[tilespmem:s19+$0x9040] =	vst v0  }
0xcb: {  	[tilespmem:s19+$0x9050] =	vst v0  }
0xcc: {  	[tilespmem:s19+$0x9060] =	vst v0  }
0xcd: {  	[tilespmem:s19+$0x9070] =	vst v0  }
0xce: {  	[tilespmem:s19+$0x9400] =	vst v0  }
0xcf: {  	[tilespmem:s19+$0x9410] =	vst v0  }
0xd0: {  	[tilespmem:s19+$0x9420] =	vst v0  }
0xd1: {  	[tilespmem:s19+$0x9430] =	vst v0  }
0xd2: {  	[tilespmem:s19+$0x9440] =	vst v0  }
0xd3: {  	[tilespmem:s19+$0x9450] =	vst v0  }
0xd4: {  	s18 =	simm.s32 $0x0;
	[tilespmem:s19+$0x9460] =	vst v0  }
0xd5: {  	[tilespmem:s18], [sflag:$0x1] =	stream.linear.gather [hbm4b:s4+s18], $0x200, $0x38;
	[tilespmem:$0x10800] =	vst v63  }
0xd6: {  	_ = 	snop  }
0xd7: {  	[tilespmem:s10], [sflag:$0x1] =	stream.linear.gather [hbm4b:s5+s18], $0x200, $0x38;
	[tilespmem:$0x10800] =	vst v63  }
.LBB2_6:
0xd8: {  	p0 =	seq.s32 s18, $0x0  }
.Ltmp4:
0xd9: {  	_ = 	snop;
	(pc) =	sbr.rel @p0 .LBB2_10-.Ltmp4, $1  }
0xda: {  	_ =	sdelay $0x3  }
0xdb: {  	_ =	swait.ge [sflag:s16], $0x8000  }
0xdc: {  	[sflag:s16] =	ssyncset.done $0x0  }
0xdd: {  	s19 =	simm.s32 $0x400;
	[sflag:s16] =	ssyncadd.s32 $0xFFFF8000  }
0xde: {  	s20 =	simm.s32 $0x0;
	s21 =	simm.s32 $0x10;
	v3 =	vld [tilespmem:s19+$0x0]  }
.LBB2_8:
0xdf: {  	p0 =	sne.s32 s21, $0x1F0;
	_ =	sdelay $0x1  }
0xe0: {  	v4 =	vmov s20  }
0xe1: {  	v5 =	vor.u32 s20, v1;
	s20 =	smov.u32 s21;
	v4 =	vshll.u32 v4, $0x3  }
0xe2: {  	v5 =	vand.u32 $0x7F, v5;
	v4 =	vand.u32 $0xC00, v4;
	v6 =	vshll.u32 v3, $0x9  }
0xe3: {  	v4 =	vor.u32 v4, v5;
	v3 =	vshll.u32 v3, $0x7;
	v6 =	vand.u32 $0xFFFFF000, v6  }
0xe4: {  	v3 =	vand.u32 $0x380, v3;
	v4 =	vor.u32 v6, v4  }
0xe5: {  	v3 =	vor.u32 v3, v4;
	_ =	sdelay $0x1  }
.Ltmp5:
0xe6: {  	(pc) =	sbr.rel @p0 .LBB2_8-.Ltmp5, $3  }
0xe7: {  	_ =	sdelay $0x1  }
0xe8: {  	s19 =	sadd.s32 $0x10, s19;
	[tilespmem:v3+s12+$0x0] =	vst.idx.msk $0xffff, v0  }
0xe9: {  	s21 =	sadd.s32 $0x10, s21;
	v3 =	vld [tilespmem:s19+$0x0]  }
0xea: {  	_ =	sdelay $0x1  }
0xeb: {  	v4 =	vmov s20  }
0xec: {  	v5 =	vor.u32 s20, v1;
	v4 =	vshll.u32 v4, $0x3  }
0xed: {  	v5 =	vand.u32 $0x7F, v5;
	v4 =	vand.u32 $0xC00, v4;
	v6 =	vshll.u32 v3, $0x9  }
0xee: {  	v4 =	vor.u32 v4, v5;
	v3 =	vshll.u32 v3, $0x7;
	v6 =	vand.u32 $0xFFFFF000, v6  }
0xef: {  	v3 =	vand.u32 $0x380, v3;
	v4 =	vor.u32 v6, v4  }
0xf0: {  	v3 =	vor.u32 v3, v4;
	_ =	sdelay $0x4  }
0xf1: {  	[tilespmem:v3+s12+$0x0] =	vst.idx.msk $0xffff, v0  }
.LBB2_10:
0xf2: {  	_ =	swait.ge [sflag:s11], $0x200  }
0xf3: {  	[sflag:s11] =	ssyncset.done $0x0  }
0xf4: {  	s19 =	simm.s32 $0x0;
	[sflag:s11] =	ssyncadd.s32 $0xFFFFFE00  }
0xf5: {  	v3 =	vld [tilespmem:s19+$0x0];
	_ =	sdelay $0x2  }
0xf6: {  	v4 =	vmov s19  }
0xf7: {  	v5 =	vor.u32 s19, v1;
	v4 =	vshll.u32 v4, $0x3  }
0xf8: {  	v5 =	vand.u32 $0x7F, v5;
	v4 =	vand.u32 $0xC00, v4;
	v6 =	vshll.u32 v3, $0x9  }
0xf9: {  	v4 =	vor.u32 v4, v5;
	v7 =	vshll.u32 v3, $0x7;
	v6 =	vand.u32 $0xFFFFF000, v6  }
0xfa: {  	v5 =	vand.u32 $0x380, v7;
	v4 =	vor.u32 v6, v4  }
0xfb: {  	v4 =	vor.u32 v5, v4;
	_ =	sdelay $0x4  }
0xfc: {  	s20 =	simm.s32 $0x400;
	[tilespmem:v4+s12+$0x0] =	vst.idx.msk $0xffff, v2  }
0xfd: {  	s21 =	simm.s32 $0x10;
	[tilespmem:s20+$0x0] =	vst v3  }
0xfe: {  	v3 =	vld [tilespmem:s21+$0x0]  }
0xff: {  	s22 =	simm.s32 $0x20;
	s23 =	simm.s32 $0x10;
	s19 =	sshll.u32 s18, $0xA  }
.LBB2_11:
0x100: {  	p0 =	sne.s32 s22, $0x1F0  }
0x101: {  	v4 =	vmov s21  }
0x102: {  	v5 =	vor.u32 s21, v1;
	s21 =	smov.u32 s22;
	v4 =	vshll.u32 v4, $0x3  }
0x103: {  	v5 =	vand.u32 $0x7F, v5;
	v4 =	vand.u32 $0xC00, v4;
	v6 =	vshll.u32 v3, $0x9  }
0x104: {  	v7 =	vshll.u32 v3, $0x7;
	v4 =	vor.u32 v4, v5;
	v6 =	vand.u32 $0xFFFFF000, v6  }
0x105: {  	v5 =	vand.u32 $0x380, v7;
	v4 =	vor.u32 v6, v4  }
0x106: {  	v4 =	vor.u32 v5, v4;
	_ =	sdelay $0x3  }
.Ltmp6:
0x107: {  	(pc) =	sbr.rel @p0 .LBB2_11-.Ltmp6, $4  }
0x108: {  	s20 =	sadd.s32 $0x10, s20;
	[tilespmem:v4+s12+$0x0] =	vst.idx.msk $0xffff, v2  }
0x109: {  	s23 =	sadd.s32 $0x10, s23;
	[tilespmem:s20+$0x0] =	vst v3  }
0x10a: {  	v3 =	vld [tilespmem:s23+$0x0]  }
0x10b: {  	s22 =	sadd.s32 $0x10, s22  }
0x10c: {  	_ = 	snop  }
0x10d: {  	v4 =	vmov s21  }
0x10e: {  	v5 =	vor.u32 s21, v1;
	v4 =	vshll.u32 v4, $0x3  }
0x10f: {  	v5 =	vand.u32 $0x7F, v5;
	v4 =	vand.u32 $0xC00, v4;
	v6 =	vshll.u32 v3, $0x9  }
0x110: {  	v7 =	vshll.u32 v3, $0x7;
	v4 =	vor.u32 v4, v5;
	v6 =	vand.u32 $0xFFFFF000, v6  }
0x111: {  	v63 =	vand.u32 $0x380, v7;
	v4 =	vor.u32 v6, v4  }
0x112: {  	v4 =	vor.u32 v63, v4;
	_ =	sdelay $0x1  }
0x113: {  	p0 =	seq.s32 s18, $0x3F  }
0x114: {  	p1 =	seq.s32 @!p0 s18, $0x0  }
0x115: {  	p1 =	por p0, !p1  }
.Ltmp7:
0x116: {  	s20 =	sadd.s32 $0x10, s20;
	s21 =	sadd.s32 @!p0 s19, s7;
	[tilespmem:v4+s12+$0x0] =	vst.idx.msk $0xffff, v2;
	(pc) =	sbr.rel @!p1 .LBB2_16-.Ltmp7, $4  }
0x117: {  	s21 =	sshrl.u32 @!p0 s21, $0x3;
	[tilespmem:s20+$0x0] =	vst v3;
	s20 =	sadd.s32 s19, s6  }
0x118: {  	[hbm4b:s20+s13] =	stream.strided.scatter [tilespmem:s12], [sflag:$0x2], $0x8000, s14, s13, $0x38;
	[tilespmem:$0x10800] =	vst v63  }
0x119: {  	s22 =	simm.s32 @!p0 $0x0;
	s21 =	sadd.s32 @!p0 s2, s21  }
0x11a: {  	[tilespmem:s22], [sflag:$0x1] =	stream.linear.gather @!p0 [hbm4b:s21+s22], $0x200, $0x38;
	[tilespmem:$0x10800] =	vst v63  }
0x11b: {  	_ =	swait.ge [sflag:s16], $0x8000  }
0x11c: {  	[sflag:s16] =	ssyncset.done $0x0  }
0x11d: {  	s21 =	simm.s32 $0x600;
	[sflag:s16] =	ssyncadd.s32 $0xFFFF8000  }
0x11e: {  	s22 =	simm.s32 $0x0;
	s23 =	simm.s32 $0x10;
	v3 =	vld [tilespmem:s21+$0x0]  }
.LBB2_14:
0x11f: {  	p1 =	sne.s32 s23, $0x1F0;
	_ =	sdelay $0x1  }
0x120: {  	v4 =	vmov s22  }
0x121: {  	v5 =	vor.u32 s22, v1;
	s22 =	smov.u32 s23;
	v4 =	vshll.u32 v4, $0x3  }
0x122: {  	v5 =	vand.u32 $0x7F, v5;
	v4 =	vand.u32 $0xC00, v4;
	v6 =	vshll.u32 v3, $0x9  }
0x123: {  	v4 =	vor.u32 v4, v5;
	v3 =	vshll.u32 v3, $0x7;
	v6 =	vand.u32 $0xFFFFF000, v6  }
0x124: {  	v3 =	vand.u32 $0x380, v3;
	v4 =	vor.u32 v6, v4  }
0x125: {  	v3 =	vor.u32 v3, v4;
	_ =	sdelay $0x1  }
.Ltmp8:
0x126: {  	(pc) =	sbr.rel @p1 .LBB2_14-.Ltmp8, $3  }
0x127: {  	_ =	sdelay $0x1  }
0x128: {  	s21 =	sadd.s32 $0x10, s21;
	[tilespmem:v3+s15+$0x0] =	vst.idx.msk $0xffff, v0  }
0x129: {  	s23 =	sadd.s32 $0x10, s23;
	v3 =	vld [tilespmem:s21+$0x0]  }
0x12a: {  	_ =	sdelay $0x1  }
0x12b: {  	v4 =	vmov s22  }
0x12c: {  	v5 =	vor.u32 s22, v1;
	v4 =	vshll.u32 v4, $0x3  }
0x12d: {  	v5 =	vand.u32 $0x7F, v5;
	v4 =	vand.u32 $0xC00, v4;
	v6 =	vshll.u32 v3, $0x9  }
0x12e: {  	v4 =	vor.u32 v4, v5;
	v3 =	vshll.u32 v3, $0x7;
	v6 =	vand.u32 $0xFFFFF000, v6  }
0x12f: {  	v3 =	vand.u32 $0x380, v3;
	v4 =	vor.u32 v6, v4  }
0x130: {  	v3 =	vor.u32 v3, v4;
	_ =	sdelay $0x4  }
0x131: {  	[tilespmem:v3+s15+$0x0] =	vst.idx.msk $0xffff, v0  }
.LBB2_16:
0x132: {  	_ =	swait.ge [sflag:s11], $0x200  }
0x133: {  	[sflag:s11] =	ssyncset.done $0x0  }
0x134: {  	s21 =	simm.s32 $0x200;
	[sflag:s11] =	ssyncadd.s32 $0xFFFFFE00  }
0x135: {  	v3 =	vld [tilespmem:s21+$0x0];
	_ =	sdelay $0x1  }
0x136: {  	s31 =	simm.s32 $0x0  }
0x137: {  	v4 =	vmov s31  }
0x138: {  	v5 =	vor.u32 s31, v1;
	v4 =	vshll.u32 v4, $0x3  }
0x139: {  	v5 =	vand.u32 $0x7F, v5;
	v4 =	vand.u32 $0xC00, v4;
	v6 =	vshll.u32 v3, $0x9  }
0x13a: {  	v4 =	vor.u32 v4, v5;
	v7 =	vshll.u32 v3, $0x7;
	v6 =	vand.u32 $0xFFFFF000, v6  }
0x13b: {  	v5 =	vand.u32 $0x380, v7;
	v4 =	vor.u32 v6, v4  }
0x13c: {  	v4 =	vor.u32 v5, v4;
	_ =	sdelay $0x4  }
0x13d: {  	s21 =	simm.s32 $0x600;
	[tilespmem:v4+s15+$0x0] =	vst.idx.msk $0xffff, v2  }
0x13e: {  	s22 =	simm.s32 $0x210;
	[tilespmem:s21+$0x0] =	vst v3  }
0x13f: {  	v3 =	vld [tilespmem:s22+$0x0]  }
0x140: {  	s23 =	simm.s32 $0x10;
	s24 =	simm.s32 $0x20  }
.LBB2_17:
0x141: {  	p1 =	sne.s32 s24, $0x1F0  }
0x142: {  	v4 =	vmov s23  }
0x143: {  	v5 =	vor.u32 s23, v1;
	s23 =	smov.u32 s24;
	v4 =	vshll.u32 v4, $0x3  }
0x144: {  	v5 =	vand.u32 $0x7F, v5;
	v4 =	vand.u32 $0xC00, v4;
	v6 =	vshll.u32 v3, $0x9  }
0x145: {  	v7 =	vshll.u32 v3, $0x7;
	v4 =	vor.u32 v4, v5;
	v6 =	vand.u32 $0xFFFFF000, v6  }
0x146: {  	v5 =	vand.u32 $0x380, v7;
	v4 =	vor.u32 v6, v4  }
0x147: {  	v4 =	vor.u32 v5, v4;
	_ =	sdelay $0x3  }
.Ltmp9:
0x148: {  	(pc) =	sbr.rel @p1 .LBB2_17-.Ltmp9, $4  }
0x149: {  	s21 =	sadd.s32 $0x10, s21;
	[tilespmem:v4+s15+$0x0] =	vst.idx.msk $0xffff, v2  }
0x14a: {  	s22 =	sadd.s32 $0x10, s22;
	[tilespmem:s21+$0x0] =	vst v3  }
0x14b: {  	v3 =	vld [tilespmem:s22+$0x0]  }
0x14c: {  	s24 =	sadd.s32 $0x10, s24  }
0x14d: {  	_ = 	snop  }
0x14e: {  	v4 =	vmov s23  }
0x14f: {  	v5 =	vor.u32 s23, v1;
	v4 =	vshll.u32 v4, $0x3  }
0x150: {  	v5 =	vand.u32 $0x7F, v5;
	v4 =	vand.u32 $0xC00, v4;
	v6 =	vshll.u32 v3, $0x9  }
0x151: {  	v7 =	vshll.u32 v3, $0x7;
	v4 =	vor.u32 v4, v5;
	v6 =	vand.u32 $0xFFFFF000, v6  }
0x152: {  	v63 =	vand.u32 $0x380, v7;
	v4 =	vor.u32 v6, v4  }
0x153: {  	v4 =	vor.u32 v63, v4;
	_ =	sdelay $0x2  }
.Ltmp10:
0x154: {  	_ = 	snop;
	(pc) =	sbr.rel @p0 .LBB2_20-.Ltmp10, $4  }
0x155: {  	_ = 	snop  }
0x156: {  	s21 =	sadd.s32 $0x10, s21;
	[tilespmem:v4+s15+$0x0] =	vst.idx.msk $0xffff, v2  }
0x157: {  	s20 =	sadd.s32 $0x200, s20;
	[tilespmem:s21+$0x0] =	vst v3  }
0x158: {  	[hbm4b:s20+s13] =	stream.strided.scatter [tilespmem:s15], [sflag:$0x2], $0x8000, s14, s13, $0x38;
	[tilespmem:$0x10800] =	vst v63  }
.Ltmp11:
0x159: {  	(pc) =	sbr.rel .LBB2_6-.Ltmp11, $4  }
0x15a: {  	s19 =	sadd.s32 s19, s8  }
0x15b: {  	s19 =	sshrl.u32 s19, $0x3  }
0x15c: {  	s18 =	sadd.s32 $0x1, s18;
	s19 =	sadd.s32 s2, s19  }
0x15d: {  	[tilespmem:s10], [sflag:$0x1] =	stream.linear.gather [hbm4b:s19+s3], $0x200, $0x38;
	[tilespmem:$0x10800] =	vst v63  }
.LBB2_21:
0x15e: {  	_ =	sfence.sel $0x180000  }
0x15f: {  	[bflag:$0x0] =	sbarrier.arrive $0xFFFF  }
0x160: {  	p0 =	sne.s32 s0, $0x0;
	_ =	strace $0x90000047  }
0x161: {  	s0 =	sadd.s32 @!p0 $0x100000, s1;
	[bflag:$0x2] =	sbarrier.arrive $0xFFFF  }
0x162: {  	[sflag:s0] =	ssyncadd.tile.s32 @!p0 $0x1;
	_ =	shalt  }
.Lfunc_end2:
_tile_overlayer_lowered:
.L_overlay_start_2:
0x163: {  	(tag) =	ssettag $0x2  }
0x164: {  	s0 =	rddreg [dreg:$0x0];
	s2 =	stileid.u32  }
0x165: {  	s1 =	rddreg [dreg:$0x1];
	p0 =	sne.s32 s2, $0x0  }
0x166: {  	s3 =	rddreg [dreg:$0x2];
	[bflag:$0x3] =	sbarrier.arrive $0xFFFF;
	s2 =	simm.s32 @!p0 $0x1C03  }
0x167: {  	[timem:s3], [sflag:s2] =	dma.local @!p0 [hbm:s0], s1  }
0x168: {  	s0 =	simm.s32 @!p0 $0x3  }
0x169: {  	_ =	swait.ge @!p0 [sflag:s0], s1  }
0x16a: {  	s1 =	ssub.s32 @!p0 $0x0, s1;
	[sflag:s0] =	ssyncset.done @!p0 $0x0  }
0x16b: {  	[sflag:s0] =	ssyncadd.s32 @!p0 s1  }
0x16c: {  	[bflag:$0x3] =	sbarrier.arrive $0xFFFF  }
0x16d: {  	_ =	shalt  }

</sc_bundles>
